<compile_context>
chip_gen: v7x
topology: tpu7x:2x2x1
jax: 0.10.2.dev20260603
libtpu: 0.0.44.dev20260713+nightly
codegen_flags: <defaults>
</compile_context>

<pallas_src>
import functools

import jax
import jax.numpy as jnp
from jax import lax
from jax.experimental import pallas as pl
from jax.experimental.pallas import tpu as pltpu
from jax.experimental.pallas import tpu_sc as plsc

_DP = 128
_NW = 32
_T = 2
_SPLITS = ((0, 128), (128, 72))


def _build(b, l):
    rows_w = b // _NW
    n_groups = rows_w // _T
    n_pairs = n_groups // 2
    mesh = plsc.VectorSubcoreMesh(core_axis_name="c", subcore_axis_name="s")

    @functools.partial(
        pl.kernel,
        mesh=mesh,
        out_type=jax.ShapeDtypeStruct((b, l, _DP), jnp.float32),
        scratch_types=[
            pltpu.VMEM((2, _T, l), jnp.int32),
            pltpu.VMEM((2, _T, l, _DP), jnp.float32),
            pltpu.SemaphoreType.DMA,
            pltpu.SemaphoreType.DMA,
            pltpu.SemaphoreType.DMA,
        ],
    )
    def emb(idx_hbm, tab_hbm, out_hbm, idx_v, rows_v, sem_i, sem_g, sem_o):
        wid = lax.axis_index("s") * 2 + lax.axis_index("c")
        base = wid * rows_w

        def load_idx(g, bf):
            pltpu.async_copy(
                idx_hbm.at[pl.ds(base + g * _T, _T)], idx_v.at[bf], sem_i
            )

        def fire(g, bf):
            for t in range(_T):
                for off, n in _SPLITS:
                    pltpu.async_copy(
                        tab_hbm.at[idx_v.at[bf, t, pl.ds(off, n)]],
                        rows_v.at[bf, t, pl.ds(off, n)],
                        sem_g,
                    )

        def drain_rows(bf, sem):
            pltpu.make_async_copy(
                out_hbm.at[pl.ds(0, _T)], rows_v.at[bf], sem
            ).wait()

        def drain_idx(bf):
            pltpu.make_async_copy(
                idx_hbm.at[pl.ds(0, _T)], idx_v.at[bf], sem_i
            ).wait()

        def start_out(g, bf):
            pltpu.async_copy(
                rows_v.at[bf],
                out_hbm.at[pl.ds(base + g * _T, _T)],
                sem_o,
            )

        pltpu.sync_copy(idx_hbm.at[pl.ds(base, _T)], idx_v.at[0])
        fire(0, 0)
        load_idx(1, 1)

        def pair(p, carry):
            for bf in range(2):
                g = 2 * p + bf
                nb = 1 - bf

                @pl.when(g + 1 < n_groups)
                def _():
                    drain_idx(nb)

                    @pl.when(g >= 1)
                    def _():
                        drain_rows(nb, sem_o)

                    fire(g + 1, nb)

                drain_rows(bf, sem_g)
                start_out(g, bf)

                @pl.when(g + 2 < n_groups)
                def _():
                    load_idx(g + 2, bf)
            return carry

        lax.fori_loop(0, n_pairs, pair, 0)
        drain_rows(0, sem_o)
        drain_rows(1, sem_o)

    return emb


def kernel(token_ids, weight):
    b, l = token_ids.shape
    d = weight.shape[1]
    wpad = jnp.pad(weight, ((0, 0), (0, _DP - d)))
    raw = _build(b, l)(token_ids.astype(jnp.int32), wpad)
    return raw[:, :, :d]

# --- scband reference (transcript-rebuilt; emitter-appended) ---
"""Pipeline reference for scband-embedding-16217796510168 (READ-ONLY COPY).

The authoritative reference and input builder live on the scoring server;
editing this copy changes nothing except your own understanding.
"""

import jax, jax.numpy as jnp
import numpy as np

NUM_EMBEDDINGS = 1000000
EMBEDDING_DIM = 64

def setup_inputs(seed: int = 0) -> dict:
    key = jax.random.key(seed)
    k_idx, k_w = jax.random.split(key)
    token_ids = jax.random.randint(k_idx, (4096, 200), 0, NUM_EMBEDDINGS, dtype=jnp.int64 if jax.config.jax_enable_x64 else jnp.int32)
    # truncated normal init, mean 0, std 1, clipped to [-3, 3]
    weight = jax.random.truncated_normal(k_w, -3.0, 3.0, (NUM_EMBEDDINGS, EMBEDDING_DIM), dtype=jnp.float32)
    return {"token_ids": token_ids, "weight": weight}

def reference(token_ids, weight):
    # Embedding lookup: weight[token_ids] -> (B, L, D)
    return jnp.take(weight, token_ids, axis=0)

if __name__ == "__main__":
    import jax
    _d = setup_inputs()
    print(jax.jit(kernel)(*tuple(_d.values())))

</pallas_src>

<mosaic_0001>
#map = affine_map<(d0, d1) -> (0, 0)>
#map1 = affine_map<(d0, d1) -> (0, 0, 0)>
module attributes {stable_mosaic.version = 14 : i64} {
  func.func @emb(%arg0: i32, %arg1: i32, %arg2: memref<4096x200xi32, #tpu.memory_space<hbm>>, %arg3: memref<1000000x128xf32, #tpu.memory_space<hbm>>, %arg4: memref<4096x200x128xf32, #tpu.memory_space<hbm>>, %arg5: memref<2x2x200xi32, #tpu.memory_space<vmem>>, %arg6: memref<2x2x200x128xf32, #tpu.memory_space<vmem>>, %arg7: memref<!tpu.dma_semaphore, #tpu.memory_space<semaphore_mem>>, %arg8: memref<!tpu.dma_semaphore, #tpu.memory_space<semaphore_mem>>, %arg9: memref<!tpu.dma_semaphore, #tpu.memory_space<semaphore_mem>>) attributes {dimension_semantics = [#tpu.dimension_semantics<core_parallel>, #tpu.dimension_semantics<subcore_parallel>], iteration_bounds = array<i64: 2, 16>, scalar_prefetch = 0 : i64, scratch_operands = 5 : i64, tpu.core_type = #tpu.core_type<sc_vector_subcore>, window_params = [{transform_indices = #map}, {transform_indices = #map}, {transform_indices = #map1}]} {
    %mul3A = arith.constant 2 : i32
    %mul3A_0 = arith.muli %arg1, %mul3A : i32
    %add3A = arith.addi %mul3A_0, %arg0 : i32
    %mul3A_1 = arith.constant 128 : i32
    %mul3A_2 = arith.muli %add3A, %mul3A_1 : i32
    %run_scoped3A = arith.constant 0 : i32
    "tpu.region"() ({
      %run_scoped3A_115 = tpu.sem_alloc : memref<!tpu.dma_semaphore, #tpu.memory_space<semaphore_mem>>
      %dma_start3A_116 = arith.constant 0 : i32
      %dma_start3A_117 = arith.constant 0 : i32
      %dma_start3A_118 = tpu.memref_slice %arg5[%run_scoped3A, %dma_start3A_116, %dma_start3A_117] : memref<2x2x200xi32, #tpu.memory_space<vmem>> -> memref<1x2x200xi32, #tpu.memory_space<vmem>>
      %dma_start3A_119 = tpu.memref_squeeze %dma_start3A_118 : memref<1x2x200xi32, #tpu.memory_space<vmem>> -> memref<2x200xi32, #tpu.memory_space<vmem>>
      %dma_start3A_120 = arith.constant 0 : i32
      %dma_start3A_121 = tpu.memref_slice %arg2[%mul3A_2, %dma_start3A_120] : memref<4096x200xi32, #tpu.memory_space<hbm>> -> memref<2x200xi32, #tpu.memory_space<hbm>>
      %dma_start3A_122 = arith.constant 0 : i32
      %dma_start3A_123 = arith.constant 0 : i32
      %dma_start3A_124 = tpu.memref_slice %arg5[%run_scoped3A, %dma_start3A_122, %dma_start3A_123] : memref<2x2x200xi32, #tpu.memory_space<vmem>> -> memref<1x2x200xi32, #tpu.memory_space<vmem>>
      %dma_start3A_125 = tpu.memref_squeeze %dma_start3A_124 : memref<1x2x200xi32, #tpu.memory_space<vmem>> -> memref<2x200xi32, #tpu.memory_space<vmem>>
      %dma_start3A_126 = arith.constant 0 : i32
      %dma_start3A_127 = tpu.memref_slice %arg2[%mul3A_2, %dma_start3A_126] : memref<4096x200xi32, #tpu.memory_space<hbm>> -> memref<2x200xi32, #tpu.memory_space<hbm>>
      tpu.enqueue_dma source(%dma_start3A_127 : memref<2x200xi32, #tpu.memory_space<hbm>>) target(%dma_start3A_125 : memref<2x200xi32, #tpu.memory_space<vmem>>) target_semaphore(%run_scoped3A_115 : memref<!tpu.dma_semaphore, #tpu.memory_space<semaphore_mem>>)
      %dma_wait3A_128 = arith.constant 0 : i32
      %dma_wait3A_129 = arith.constant 0 : i32
      %dma_wait3A_130 = tpu.memref_slice %arg5[%run_scoped3A, %dma_wait3A_128, %dma_wait3A_129] : memref<2x2x200xi32, #tpu.memory_space<vmem>> -> memref<1x2x200xi32, #tpu.memory_space<vmem>>
      %dma_wait3A_131 = tpu.memref_squeeze %dma_wait3A_130 : memref<1x2x200xi32, #tpu.memory_space<vmem>> -> memref<2x200xi32, #tpu.memory_space<vmem>>
      %dma_wait3A_132 = arith.constant 0 : i32
      %dma_wait3A_133 = tpu.memref_slice %arg2[%mul3A_2, %dma_wait3A_132] : memref<4096x200xi32, #tpu.memory_space<hbm>> -> memref<2x200xi32, #tpu.memory_space<hbm>>
      %dma_wait3A_134 = arith.constant 0 : i32
      %dma_wait3A_135 = arith.constant 0 : i32
      %dma_wait3A_136 = tpu.memref_slice %arg5[%run_scoped3A, %dma_wait3A_134, %dma_wait3A_135] : memref<2x2x200xi32, #tpu.memory_space<vmem>> -> memref<1x2x200xi32, #tpu.memory_space<vmem>>
      %dma_wait3A_137 = tpu.memref_squeeze %dma_wait3A_136 : memref<1x2x200xi32, #tpu.memory_space<vmem>> -> memref<2x200xi32, #tpu.memory_space<vmem>>
      %dma_wait3A_138 = arith.constant 0 : i32
      %dma_wait3A_139 = tpu.memref_slice %arg2[%mul3A_2, %dma_wait3A_138] : memref<4096x200xi32, #tpu.memory_space<hbm>> -> memref<2x200xi32, #tpu.memory_space<hbm>>
      tpu.wait_dma2 semaphore(%run_scoped3A_115 : memref<!tpu.dma_semaphore, #tpu.memory_space<semaphore_mem>>) src(%dma_wait3A_139 : memref<2x200xi32, #tpu.memory_space<hbm>>) dst(%dma_wait3A_137 : memref<2x200xi32, #tpu.memory_space<vmem>>)
      tpu.yield
    }) : () -> ()
    %dma_start3A = arith.constant 0 : i32
    %dma_start3A_3 = arith.constant 0 : i32
    %dma_start3A_4 = arith.constant 0 : i32
    %dma_start3A_5 = arith.constant 0 : i32
    %dma_start3A_6 = arith.constant 0 : i32
    %dma_start3A_7 = arith.constant 0 : i32
    %dma_start3A_8 = tpu.memref_slice %arg6[%dma_start3A_4, %dma_start3A_5, %dma_start3A_6, %dma_start3A_7] : memref<2x2x200x128xf32, #tpu.memory_space<vmem>> -> memref<1x1x128x128xf32, #tpu.memory_space<vmem>>
    %dma_start3A_9 = tpu.memref_squeeze %dma_start3A_8 : memref<1x1x128x128xf32, #tpu.memory_space<vmem>> -> memref<128x128xf32, #tpu.memory_space<vmem>>
    %dma_start3A_10 = arith.constant 0 : i32
    %dma_start3A_11 = tpu.memref_slice %arg5[%dma_start3A, %dma_start3A_3, %dma_start3A_10] : memref<2x2x200xi32, #tpu.memory_space<vmem>> -> memref<1x1x128xi32, #tpu.memory_space<vmem>>
    %dma_start3A_12 = tpu.memref_squeeze %dma_start3A_11 : memref<1x1x128xi32, #tpu.memory_space<vmem>> -> memref<128xi32, #tpu.memory_space<vmem>>
    %dma_start3A_13 = arith.constant 0 : i32
    %dma_start3A_14 = arith.constant 0 : i32
    %dma_start3A_15 = tpu.memref_slice %arg3[%dma_start3A_13, %dma_start3A_14] : memref<1000000x128xf32, #tpu.memory_space<hbm>> -> memref<1000000x128xf32, #tpu.memory_space<hbm>>
    tpu.enqueue_indirect_dma source(%dma_start3A_15 : memref<1000000x128xf32, #tpu.memory_space<hbm>>) target(%dma_start3A_9 : memref<128x128xf32, #tpu.memory_space<vmem>>) offsets(%dma_start3A_12 : memref<128xi32, #tpu.memory_space<vmem>>) semaphore(%arg8 : memref<!tpu.dma_semaphore, #tpu.memory_space<semaphore_mem>>)
    %dma_start3A_16 = arith.constant 0 : i32
    %dma_start3A_17 = arith.constant 0 : i32
    %dma_start3A_18 = arith.constant 0 : i32
    %dma_start3A_19 = arith.constant 0 : i32
    %dma_start3A_20 = arith.constant 128 : i32
    %dma_start3A_21 = arith.constant 0 : i32
    %dma_start3A_22 = tpu.memref_slice %arg6[%dma_start3A_18, %dma_start3A_19, %dma_start3A_20, %dma_start3A_21] : memref<2x2x200x128xf32, #tpu.memory_space<vmem>> -> memref<1x1x72x128xf32, #tpu.memory_space<vmem>>
    %dma_start3A_23 = tpu.memref_squeeze %dma_start3A_22 : memref<1x1x72x128xf32, #tpu.memory_space<vmem>> -> memref<72x128xf32, #tpu.memory_space<vmem>>
    %dma_start3A_24 = arith.constant 128 : i32
    %dma_start3A_25 = tpu.memref_slice %arg5[%dma_start3A_16, %dma_start3A_17, %dma_start3A_24] : memref<2x2x200xi32, #tpu.memory_space<vmem>> -> memref<1x1x72xi32, #tpu.memory_space<vmem>>
    %dma_start3A_26 = tpu.memref_squeeze %dma_start3A_25 : memref<1x1x72xi32, #tpu.memory_space<vmem>> -> memref<72xi32, #tpu.memory_space<vmem>>
    %dma_start3A_27 = arith.constant 0 : i32
    %dma_start3A_28 = arith.constant 0 : i32
    %dma_start3A_29 = tpu.memref_slice %arg3[%dma_start3A_27, %dma_start3A_28] : memref<1000000x128xf32, #tpu.memory_space<hbm>> -> memref<1000000x128xf32, #tpu.memory_space<hbm>>
    tpu.enqueue_indirect_dma source(%dma_start3A_29 : memref<1000000x128xf32, #tpu.memory_space<hbm>>) target(%dma_start3A_23 : memref<72x128xf32, #tpu.memory_space<vmem>>) offsets(%dma_start3A_26 : memref<72xi32, #tpu.memory_space<vmem>>) semaphore(%arg8 : memref<!tpu.dma_semaphore, #tpu.memory_space<semaphore_mem>>)
    %dma_start3A_30 = arith.constant 0 : i32
    %dma_start3A_31 = arith.constant 1 : i32
    %dma_start3A_32 = arith.constant 0 : i32
    %dma_start3A_33 = arith.constant 1 : i32
    %dma_start3A_34 = arith.constant 0 : i32
    %dma_start3A_35 = arith.constant 0 : i32
    %dma_start3A_36 = tpu.memref_slice %arg6[%dma_start3A_32, %dma_start3A_33, %dma_start3A_34, %dma_start3A_35] : memref<2x2x200x128xf32, #tpu.memory_space<vmem>> -> memref<1x1x128x128xf32, #tpu.memory_space<vmem>>
    %dma_start3A_37 = tpu.memref_squeeze %dma_start3A_36 : memref<1x1x128x128xf32, #tpu.memory_space<vmem>> -> memref<128x128xf32, #tpu.memory_space<vmem>>
    %dma_start3A_38 = arith.constant 0 : i32
    %dma_start3A_39 = tpu.memref_slice %arg5[%dma_start3A_30, %dma_start3A_31, %dma_start3A_38] : memref<2x2x200xi32, #tpu.memory_space<vmem>> -> memref<1x1x128xi32, #tpu.memory_space<vmem>>
    %dma_start3A_40 = tpu.memref_squeeze %dma_start3A_39 : memref<1x1x128xi32, #tpu.memory_space<vmem>> -> memref<128xi32, #tpu.memory_space<vmem>>
    %dma_start3A_41 = arith.constant 0 : i32
    %dma_start3A_42 = arith.constant 0 : i32
    %dma_start3A_43 = tpu.memref_slice %arg3[%dma_start3A_41, %dma_start3A_42] : memref<1000000x128xf32, #tpu.memory_space<hbm>> -> memref<1000000x128xf32, #tpu.memory_space<hbm>>
    tpu.enqueue_indirect_dma source(%dma_start3A_43 : memref<1000000x128xf32, #tpu.memory_space<hbm>>) target(%dma_start3A_37 : memref<128x128xf32, #tpu.memory_space<vmem>>) offsets(%dma_start3A_40 : memref<128xi32, #tpu.memory_space<vmem>>) semaphore(%arg8 : memref<!tpu.dma_semaphore, #tpu.memory_space<semaphore_mem>>)
    %dma_start3A_44 = arith.constant 0 : i32
    %dma_start3A_45 = arith.constant 1 : i32
    %dma_start3A_46 = arith.constant 0 : i32
    %dma_start3A_47 = arith.constant 1 : i32
    %dma_start3A_48 = arith.constant 128 : i32
    %dma_start3A_49 = arith.constant 0 : i32
    %dma_start3A_50 = tpu.memref_slice %arg6[%dma_start3A_46, %dma_start3A_47, %dma_start3A_48, %dma_start3A_49] : memref<2x2x200x128xf32, #tpu.memory_space<vmem>> -> memref<1x1x72x128xf32, #tpu.memory_space<vmem>>
    %dma_start3A_51 = tpu.memref_squeeze %dma_start3A_50 : memref<1x1x72x128xf32, #tpu.memory_space<vmem>> -> memref<72x128xf32, #tpu.memory_space<vmem>>
    %dma_start3A_52 = arith.constant 128 : i32
    %dma_start3A_53 = tpu.memref_slice %arg5[%dma_start3A_44, %dma_start3A_45, %dma_start3A_52] : memref<2x2x200xi32, #tpu.memory_space<vmem>> -> memref<1x1x72xi32, #tpu.memory_space<vmem>>
    %dma_start3A_54 = tpu.memref_squeeze %dma_start3A_53 : memref<1x1x72xi32, #tpu.memory_space<vmem>> -> memref<72xi32, #tpu.memory_space<vmem>>
    %dma_start3A_55 = arith.constant 0 : i32
    %dma_start3A_56 = arith.constant 0 : i32
    %dma_start3A_57 = tpu.memref_slice %arg3[%dma_start3A_55, %dma_start3A_56] : memref<1000000x128xf32, #tpu.memory_space<hbm>> -> memref<1000000x128xf32, #tpu.memory_space<hbm>>
    tpu.enqueue_indirect_dma source(%dma_start3A_57 : memref<1000000x128xf32, #tpu.memory_space<hbm>>) target(%dma_start3A_51 : memref<72x128xf32, #tpu.memory_space<vmem>>) offsets(%dma_start3A_54 : memref<72xi32, #tpu.memory_space<vmem>>) semaphore(%arg8 : memref<!tpu.dma_semaphore, #tpu.memory_space<semaphore_mem>>)
    %add3A_58 = arith.constant 2 : i32
    %add3A_59 = arith.addi %mul3A_2, %add3A_58 : i32
    %dma_start3A_60 = arith.constant 1 : i32
    %dma_start3A_61 = arith.constant 0 : i32
    %dma_start3A_62 = arith.constant 0 : i32
    %dma_start3A_63 = tpu.memref_slice %arg5[%dma_start3A_60, %dma_start3A_61, %dma_start3A_62] : memref<2x2x200xi32, #tpu.memory_space<vmem>> -> memref<1x2x200xi32, #tpu.memory_space<vmem>>
    %dma_start3A_64 = tpu.memref_squeeze %dma_start3A_63 : memref<1x2x200xi32, #tpu.memory_space<vmem>> -> memref<2x200xi32, #tpu.memory_space<vmem>>
    %dma_start3A_65 = arith.constant 0 : i32
    %dma_start3A_66 = tpu.memref_slice %arg2[%add3A_59, %dma_start3A_65] : memref<4096x200xi32, #tpu.memory_space<hbm>> -> memref<2x200xi32, #tpu.memory_space<hbm>>
    %dma_start3A_67 = arith.constant 0 : i32
    %dma_start3A_68 = arith.constant 0 : i32
    %dma_start3A_69 = tpu.memref_slice %arg5[%dma_start3A_60, %dma_start3A_67, %dma_start3A_68] : memref<2x2x200xi32, #tpu.memory_space<vmem>> -> memref<1x2x200xi32, #tpu.memory_space<vmem>>
    %dma_start3A_70 = tpu.memref_squeeze %dma_start3A_69 : memref<1x2x200xi32, #tpu.memory_space<vmem>> -> memref<2x200xi32, #tpu.memory_space<vmem>>
    %dma_start3A_71 = arith.constant 0 : i32
    %dma_start3A_72 = tpu.memref_slice %arg2[%add3A_59, %dma_start3A_71] : memref<4096x200xi32, #tpu.memory_space<hbm>> -> memref<2x200xi32, #tpu.memory_space<hbm>>
    tpu.enqueue_dma source(%dma_start3A_72 : memref<2x200xi32, #tpu.memory_space<hbm>>) target(%dma_start3A_70 : memref<2x200xi32, #tpu.memory_space<vmem>>) target_semaphore(%arg7 : memref<!tpu.dma_semaphore, #tpu.memory_space<semaphore_mem>>)
    %scan3A = arith.constant 0 : i32
    %scan3A_73 = arith.constant 0 : i32
    %scan3A_74 = arith.constant 32 : i32
    %scan3A_75 = arith.addi %scan3A_73, %scan3A_74 : i32
    %scan3A_76 = arith.constant 1 : i32
    scf.for %scan3A_115 = %scan3A_73 to %scan3A_75 step %scan3A_76  : i32 {
      %mul3A_116 = arith.constant 2 : i32
      %mul3A_117 = arith.muli %mul3A_116, %scan3A_115 : i32
      %add3A_118 = arith.constant 0 : i32
      %add3A_119 = arith.addi %mul3A_117, %add3A_118 : i32
      %add3A_120 = arith.constant 1 : i32
      %add3A_121 = arith.addi %add3A_119, %add3A_120 : i32
      %lt3A = arith.constant 64 : i32
      %lt3A_122 = arith.cmpi slt, %add3A_121, %lt3A : i32
      %convert_element_type3A = arith.extui %lt3A_122 : i1 to i32
      %cond3A = arith.constant 0 : i32
      %cond3A_123 = arith.cmpi ne, %convert_element_type3A, %cond3A : i32
      scf.if %cond3A_123 {
        %dma_wait3A_227 = arith.constant 1 : i32
        %dma_wait3A_228 = arith.constant 0 : i32
        %dma_wait3A_229 = arith.constant 0 : i32
        %dma_wait3A_230 = tpu.memref_slice %arg5[%dma_wait3A_227, %dma_wait3A_228, %dma_wait3A_229] : memref<2x2x200xi32, #tpu.memory_space<vmem>> -> memref<1x2x200xi32, #tpu.memory_space<vmem>>
        %dma_wait3A_231 = tpu.memref_squeeze %dma_wait3A_230 : memref<1x2x200xi32, #tpu.memory_space<vmem>> -> memref<2x200xi32, #tpu.memory_space<vmem>>
        %dma_wait3A_232 = arith.constant 0 : i32
        %dma_wait3A_233 = arith.constant 0 : i32
        %dma_wait3A_234 = tpu.memref_slice %arg2[%dma_wait3A_232, %dma_wait3A_233] : memref<4096x200xi32, #tpu.memory_space<hbm>> -> memref<2x200xi32, #tpu.memory_space<hbm>>
        %dma_wait3A_235 = arith.constant 0 : i32
        %dma_wait3A_236 = arith.constant 0 : i32
        %dma_wait3A_237 = tpu.memref_slice %arg5[%dma_wait3A_227, %dma_wait3A_235, %dma_wait3A_236] : memref<2x2x200xi32, #tpu.memory_space<vmem>> -> memref<1x2x200xi32, #tpu.memory_space<vmem>>
        %dma_wait3A_238 = tpu.memref_squeeze %dma_wait3A_237 : memref<1x2x200xi32, #tpu.memory_space<vmem>> -> memref<2x200xi32, #tpu.memory_space<vmem>>
        %dma_wait3A_239 = arith.constant 0 : i32
        %dma_wait3A_240 = arith.constant 0 : i32
        %dma_wait3A_241 = tpu.memref_slice %arg2[%dma_wait3A_239, %dma_wait3A_240] : memref<4096x200xi32, #tpu.memory_space<hbm>> -> memref<2x200xi32, #tpu.memory_space<hbm>>
        tpu.wait_dma2 semaphore(%arg7 : memref<!tpu.dma_semaphore, #tpu.memory_space<semaphore_mem>>) src(%dma_wait3A_241 : memref<2x200xi32, #tpu.memory_space<hbm>>) dst(%dma_wait3A_238 : memref<2x200xi32, #tpu.memory_space<vmem>>)
        %ge3A = arith.constant 1 : i32
        %ge3A_242 = arith.cmpi sge, %add3A_119, %ge3A : i32
        %convert_element_type3A_243 = arith.extui %ge3A_242 : i1 to i32
        %cond3A_244 = arith.constant 0 : i32
        %cond3A_245 = arith.cmpi ne, %convert_element_type3A_243, %cond3A_244 : i32
        scf.if %cond3A_245 {
          %dma_wait3A_304 = arith.constant 1 : i32
          %dma_wait3A_305 = arith.constant 0 : i32
          %dma_wait3A_306 = arith.constant 0 : i32
          %dma_wait3A_307 = arith.constant 0 : i32
          %dma_wait3A_308 = tpu.memref_slice %arg6[%dma_wait3A_304, %dma_wait3A_305, %dma_wait3A_306, %dma_wait3A_307] : memref<2x2x200x128xf32, #tpu.memory_space<vmem>> -> memref<1x2x200x128xf32, #tpu.memory_space<vmem>>
          %dma_wait3A_309 = tpu.memref_squeeze %dma_wait3A_308 : memref<1x2x200x128xf32, #tpu.memory_space<vmem>> -> memref<2x200x128xf32, #tpu.memory_space<vmem>>
          %dma_wait3A_310 = arith.constant 0 : i32
          %dma_wait3A_311 = arith.constant 0 : i32
          %dma_wait3A_312 = arith.constant 0 : i32
          %dma_wait3A_313 = tpu.memref_slice %arg4[%dma_wait3A_310, %dma_wait3A_311, %dma_wait3A_312] : memref<4096x200x128xf32, #tpu.memory_space<hbm>> -> memref<2x200x128xf32, #tpu.memory_space<hbm>>
          %dma_wait3A_314 = arith.constant 0 : i32
          %dma_wait3A_315 = arith.constant 0 : i32
          %dma_wait3A_316 = arith.constant 0 : i32
          %dma_wait3A_317 = tpu.memref_slice %arg6[%dma_wait3A_304, %dma_wait3A_314, %dma_wait3A_315, %dma_wait3A_316] : memref<2x2x200x128xf32, #tpu.memory_space<vmem>> -> memref<1x2x200x128xf32, #tpu.memory_space<vmem>>
          %dma_wait3A_318 = tpu.memref_squeeze %dma_wait3A_317 : memref<1x2x200x128xf32, #tpu.memory_space<vmem>> -> memref<2x200x128xf32, #tpu.memory_space<vmem>>
          %dma_wait3A_319 = arith.constant 0 : i32
          %dma_wait3A_320 = arith.constant 0 : i32
          %dma_wait3A_321 = arith.constant 0 : i32
          %dma_wait3A_322 = tpu.memref_slice %arg4[%dma_wait3A_319, %dma_wait3A_320, %dma_wait3A_321] : memref<4096x200x128xf32, #tpu.memory_space<hbm>> -> memref<2x200x128xf32, #tpu.memory_space<hbm>>
          tpu.wait_dma2 semaphore(%arg9 : memref<!tpu.dma_semaphore, #tpu.memory_space<semaphore_mem>>) src(%dma_wait3A_322 : memref<2x200x128xf32, #tpu.memory_space<hbm>>) dst(%dma_wait3A_318 : memref<2x200x128xf32, #tpu.memory_space<vmem>>)
        } else {
        }
        %add3A_246 = arith.constant 1 : i32
        %add3A_247 = arith.addi %add3A_119, %add3A_246 : i32
        %dma_start3A_248 = arith.constant 1 : i32
        %dma_start3A_249 = arith.constant 0 : i32
        %dma_start3A_250 = arith.constant 1 : i32
        %dma_start3A_251 = arith.constant 0 : i32
        %dma_start3A_252 = arith.constant 0 : i32
        %dma_start3A_253 = arith.constant 0 : i32
        %dma_start3A_254 = tpu.memref_slice %arg6[%dma_start3A_250, %dma_start3A_251, %dma_start3A_252, %dma_start3A_253] : memref<2x2x200x128xf32, #tpu.memory_space<vmem>> -> memref<1x1x128x128xf32, #tpu.memory_space<vmem>>
        %dma_start3A_255 = tpu.memref_squeeze %dma_start3A_254 : memref<1x1x128x128xf32, #tpu.memory_space<vmem>> -> memref<128x128xf32, #tpu.memory_space<vmem>>
        %dma_start3A_256 = arith.constant 0 : i32
        %dma_start3A_257 = tpu.memref_slice %arg5[%dma_start3A_248, %dma_start3A_249, %dma_start3A_256] : memref<2x2x200xi32, #tpu.memory_space<vmem>> -> memref<1x1x128xi32, #tpu.memory_space<vmem>>
        %dma_start3A_258 = tpu.memref_squeeze %dma_start3A_257 : memref<1x1x128xi32, #tpu.memory_space<vmem>> -> memref<128xi32, #tpu.memory_space<vmem>>
        %dma_start3A_259 = arith.constant 0 : i32
        %dma_start3A_260 = arith.constant 0 : i32
        %dma_start3A_261 = tpu.memref_slice %arg3[%dma_start3A_259, %dma_start3A_260] : memref<1000000x128xf32, #tpu.memory_space<hbm>> -> memref<1000000x128xf32, #tpu.memory_space<hbm>>
        tpu.enqueue_indirect_dma source(%dma_start3A_261 : memref<1000000x128xf32, #tpu.memory_space<hbm>>) target(%dma_start3A_255 : memref<128x128xf32, #tpu.memory_space<vmem>>) offsets(%dma_start3A_258 : memref<128xi32, #tpu.memory_space<vmem>>) semaphore(%arg8 : memref<!tpu.dma_semaphore, #tpu.memory_space<semaphore_mem>>)
        %dma_start3A_262 = arith.constant 1 : i32
        %dma_start3A_263 = arith.constant 0 : i32
        %dma_start3A_264 = arith.constant 1 : i32
        %dma_start3A_265 = arith.constant 0 : i32
        %dma_start3A_266 = arith.constant 128 : i32
        %dma_start3A_267 = arith.constant 0 : i32
        %dma_start3A_268 = tpu.memref_slice %arg6[%dma_start3A_264, %dma_start3A_265, %dma_start3A_266, %dma_start3A_267] : memref<2x2x200x128xf32, #tpu.memory_space<vmem>> -> memref<1x1x72x128xf32, #tpu.memory_space<vmem>>
        %dma_start3A_269 = tpu.memref_squeeze %dma_start3A_268 : memref<1x1x72x128xf32, #tpu.memory_space<vmem>> -> memref<72x128xf32, #tpu.memory_space<vmem>>
        %dma_start3A_270 = arith.constant 128 : i32
        %dma_start3A_271 = tpu.memref_slice %arg5[%dma_start3A_262, %dma_start3A_263, %dma_start3A_270] : memref<2x2x200xi32, #tpu.memory_space<vmem>> -> memref<1x1x72xi32, #tpu.memory_space<vmem>>
        %dma_start3A_272 = tpu.memref_squeeze %dma_start3A_271 : memref<1x1x72xi32, #tpu.memory_space<vmem>> -> memref<72xi32, #tpu.memory_space<vmem>>
        %dma_start3A_273 = arith.constant 0 : i32
        %dma_start3A_274 = arith.constant 0 : i32
        %dma_start3A_275 = tpu.memref_slice %arg3[%dma_start3A_273, %dma_start3A_274] : memref<1000000x128xf32, #tpu.memory_space<hbm>> -> memref<1000000x128xf32, #tpu.memory_space<hbm>>
        tpu.enqueue_indirect_dma source(%dma_start3A_275 : memref<1000000x128xf32, #tpu.memory_space<hbm>>) target(%dma_start3A_269 : memref<72x128xf32, #tpu.memory_space<vmem>>) offsets(%dma_start3A_272 : memref<72xi32, #tpu.memory_space<vmem>>) semaphore(%arg8 : memref<!tpu.dma_semaphore, #tpu.memory_space<semaphore_mem>>)
        %dma_start3A_276 = arith.constant 1 : i32
        %dma_start3A_277 = arith.constant 1 : i32
        %dma_start3A_278 = arith.constant 1 : i32
        %dma_start3A_279 = arith.constant 1 : i32
        %dma_start3A_280 = arith.constant 0 : i32
        %dma_start3A_281 = arith.constant 0 : i32
        %dma_start3A_282 = tpu.memref_slice %arg6[%dma_start3A_278, %dma_start3A_279, %dma_start3A_280, %dma_start3A_281] : memref<2x2x200x128xf32, #tpu.memory_space<vmem>> -> memref<1x1x128x128xf32, #tpu.memory_space<vmem>>
        %dma_start3A_283 = tpu.memref_squeeze %dma_start3A_282 : memref<1x1x128x128xf32, #tpu.memory_space<vmem>> -> memref<128x128xf32, #tpu.memory_space<vmem>>
        %dma_start3A_284 = arith.constant 0 : i32
        %dma_start3A_285 = tpu.memref_slice %arg5[%dma_start3A_276, %dma_start3A_277, %dma_start3A_284] : memref<2x2x200xi32, #tpu.memory_space<vmem>> -> memref<1x1x128xi32, #tpu.memory_space<vmem>>
        %dma_start3A_286 = tpu.memref_squeeze %dma_start3A_285 : memref<1x1x128xi32, #tpu.memory_space<vmem>> -> memref<128xi32, #tpu.memory_space<vmem>>
        %dma_start3A_287 = arith.constant 0 : i32
        %dma_start3A_288 = arith.constant 0 : i32
        %dma_start3A_289 = tpu.memref_slice %arg3[%dma_start3A_287, %dma_start3A_288] : memref<1000000x128xf32, #tpu.memory_space<hbm>> -> memref<1000000x128xf32, #tpu.memory_space<hbm>>
        tpu.enqueue_indirect_dma source(%dma_start3A_289 : memref<1000000x128xf32, #tpu.memory_space<hbm>>) target(%dma_start3A_283 : memref<128x128xf32, #tpu.memory_space<vmem>>) offsets(%dma_start3A_286 : memref<128xi32, #tpu.memory_space<vmem>>) semaphore(%arg8 : memref<!tpu.dma_semaphore, #tpu.memory_space<semaphore_mem>>)
        %dma_start3A_290 = arith.constant 1 : i32
        %dma_start3A_291 = arith.constant 1 : i32
        %dma_start3A_292 = arith.constant 1 : i32
        %dma_start3A_293 = arith.constant 1 : i32
        %dma_start3A_294 = arith.constant 128 : i32
        %dma_start3A_295 = arith.constant 0 : i32
        %dma_start3A_296 = tpu.memref_slice %arg6[%dma_start3A_292, %dma_start3A_293, %dma_start3A_294, %dma_start3A_295] : memref<2x2x200x128xf32, #tpu.memory_space<vmem>> -> memref<1x1x72x128xf32, #tpu.memory_space<vmem>>
        %dma_start3A_297 = tpu.memref_squeeze %dma_start3A_296 : memref<1x1x72x128xf32, #tpu.memory_space<vmem>> -> memref<72x128xf32, #tpu.memory_space<vmem>>
        %dma_start3A_298 = arith.constant 128 : i32
        %dma_start3A_299 = tpu.memref_slice %arg5[%dma_start3A_290, %dma_start3A_291, %dma_start3A_298] : memref<2x2x200xi32, #tpu.memory_space<vmem>> -> memref<1x1x72xi32, #tpu.memory_space<vmem>>
        %dma_start3A_300 = tpu.memref_squeeze %dma_start3A_299 : memref<1x1x72xi32, #tpu.memory_space<vmem>> -> memref<72xi32, #tpu.memory_space<vmem>>
        %dma_start3A_301 = arith.constant 0 : i32
        %dma_start3A_302 = arith.constant 0 : i32
        %dma_start3A_303 = tpu.memref_slice %arg3[%dma_start3A_301, %dma_start3A_302] : memref<1000000x128xf32, #tpu.memory_space<hbm>> -> memref<1000000x128xf32, #tpu.memory_space<hbm>>
        tpu.enqueue_indirect_dma source(%dma_start3A_303 : memref<1000000x128xf32, #tpu.memory_space<hbm>>) target(%dma_start3A_297 : memref<72x128xf32, #tpu.memory_space<vmem>>) offsets(%dma_start3A_300 : memref<72xi32, #tpu.memory_space<vmem>>) semaphore(%arg8 : memref<!tpu.dma_semaphore, #tpu.memory_space<semaphore_mem>>)
      } else {
      }
      %dma_wait3A_124 = arith.constant 0 : i32
      %dma_wait3A_125 = arith.constant 0 : i32
      %dma_wait3A_126 = arith.constant 0 : i32
      %dma_wait3A_127 = arith.constant 0 : i32
      %dma_wait3A_128 = tpu.memref_slice %arg6[%dma_wait3A_124, %dma_wait3A_125, %dma_wait3A_126, %dma_wait3A_127] : memref<2x2x200x128xf32, #tpu.memory_space<vmem>> -> memref<1x2x200x128xf32, #tpu.memory_space<vmem>>
      %dma_wait3A_129 = tpu.memref_squeeze %dma_wait3A_128 : memref<1x2x200x128xf32, #tpu.memory_space<vmem>> -> memref<2x200x128xf32, #tpu.memory_space<vmem>>
      %dma_wait3A_130 = arith.constant 0 : i32
      %dma_wait3A_131 = arith.constant 0 : i32
      %dma_wait3A_132 = arith.constant 0 : i32
      %dma_wait3A_133 = tpu.memref_slice %arg4[%dma_wait3A_130, %dma_wait3A_131, %dma_wait3A_132] : memref<4096x200x128xf32, #tpu.memory_space<hbm>> -> memref<2x200x128xf32, #tpu.memory_space<hbm>>
      %dma_wait3A_134 = arith.constant 0 : i32
      %dma_wait3A_135 = arith.constant 0 : i32
      %dma_wait3A_136 = arith.constant 0 : i32
      %dma_wait3A_137 = tpu.memref_slice %arg6[%dma_wait3A_124, %dma_wait3A_134, %dma_wait3A_135, %dma_wait3A_136] : memref<2x2x200x128xf32, #tpu.memory_space<vmem>> -> memref<1x2x200x128xf32, #tpu.memory_space<vmem>>
      %dma_wait3A_138 = tpu.memref_squeeze %dma_wait3A_137 : memref<1x2x200x128xf32, #tpu.memory_space<vmem>> -> memref<2x200x128xf32, #tpu.memory_space<vmem>>
      %dma_wait3A_139 = arith.constant 0 : i32
      %dma_wait3A_140 = arith.constant 0 : i32
      %dma_wait3A_141 = arith.constant 0 : i32
      %dma_wait3A_142 = tpu.memref_slice %arg4[%dma_wait3A_139, %dma_wait3A_140, %dma_wait3A_141] : memref<4096x200x128xf32, #tpu.memory_space<hbm>> -> memref<2x200x128xf32, #tpu.memory_space<hbm>>
      tpu.wait_dma2 semaphore(%arg8 : memref<!tpu.dma_semaphore, #tpu.memory_space<semaphore_mem>>) src(%dma_wait3A_142 : memref<2x200x128xf32, #tpu.memory_space<hbm>>) dst(%dma_wait3A_138 : memref<2x200x128xf32, #tpu.memory_space<vmem>>)
      %mul3A_143 = arith.constant 2 : i32
      %mul3A_144 = arith.muli %add3A_119, %mul3A_143 : i32
      %add3A_145 = arith.addi %mul3A_2, %mul3A_144 : i32
      %dma_start3A_146 = arith.constant 0 : i32
      %dma_start3A_147 = arith.constant 0 : i32
      %dma_start3A_148 = arith.constant 0 : i32
      %dma_start3A_149 = arith.constant 0 : i32
      %dma_start3A_150 = tpu.memref_slice %arg6[%dma_start3A_146, %dma_start3A_147, %dma_start3A_148, %dma_start3A_149] : memref<2x2x200x128xf32, #tpu.memory_space<vmem>> -> memref<1x2x200x128xf32, #tpu.memory_space<vmem>>
      %dma_start3A_151 = tpu.memref_squeeze %dma_start3A_150 : memref<1x2x200x128xf32, #tpu.memory_space<vmem>> -> memref<2x200x128xf32, #tpu.memory_space<vmem>>
      %dma_start3A_152 = arith.constant 0 : i32
      %dma_start3A_153 = arith.constant 0 : i32
      %dma_start3A_154 = tpu.memref_slice %arg4[%add3A_145, %dma_start3A_152, %dma_start3A_153] : memref<4096x200x128xf32, #tpu.memory_space<hbm>> -> memref<2x200x128xf32, #tpu.memory_space<hbm>>
      %dma_start3A_155 = arith.constant 0 : i32
      %dma_start3A_156 = arith.constant 0 : i32
      %dma_start3A_157 = tpu.memref_slice %arg4[%add3A_145, %dma_start3A_155, %dma_start3A_156] : memref<4096x200x128xf32, #tpu.memory_space<hbm>> -> memref<2x200x128xf32, #tpu.memory_space<hbm>>
      %dma_start3A_158 = arith.constant 0 : i32
      %dma_start3A_159 = arith.constant 0 : i32
      %dma_start3A_160 = arith.constant 0 : i32
      %dma_start3A_161 = tpu.memref_slice %arg6[%dma_start3A_146, %dma_start3A_158, %dma_start3A_159, %dma_start3A_160] : memref<2x2x200x128xf32, #tpu.memory_space<vmem>> -> memref<1x2x200x128xf32, #tpu.memory_space<vmem>>
      %dma_start3A_162 = tpu.memref_squeeze %dma_start3A_161 : memref<1x2x200x128xf32, #tpu.memory_space<vmem>> -> memref<2x200x128xf32, #tpu.memory_space<vmem>>
      tpu.enqueue_dma source(%dma_start3A_162 : memref<2x200x128xf32, #tpu.memory_space<vmem>>) target(%dma_start3A_157 : memref<2x200x128xf32, #tpu.memory_space<hbm>>) target_semaphore(%arg9 : memref<!tpu.dma_semaphore, #tpu.memory_space<semaphore_mem>>)
      %add3A_163 = arith.constant 2 : i32
      %add3A_164 = arith.addi %add3A_119, %add3A_163 : i32
      %lt3A_165 = arith.constant 64 : i32
      %lt3A_166 = arith.cmpi slt, %add3A_164, %lt3A_165 : i32
      %convert_element_type3A_167 = arith.extui %lt3A_166 : i1 to i32
      %cond3A_168 = arith.constant 0 : i32
      %cond3A_169 = arith.cmpi ne, %convert_element_type3A_167, %cond3A_168 : i32
      scf.if %cond3A_169 {
        %add3A_227 = arith.constant 2 : i32
        %add3A_228 = arith.addi %add3A_119, %add3A_227 : i32
        %mul3A_229 = arith.constant 2 : i32
        %mul3A_230 = arith.muli %add3A_228, %mul3A_229 : i32
        %add3A_231 = arith.addi %mul3A_2, %mul3A_230 : i32
        %dma_start3A_232 = arith.constant 0 : i32
        %dma_start3A_233 = arith.constant 0 : i32
        %dma_start3A_234 = arith.constant 0 : i32
        %dma_start3A_235 = tpu.memref_slice %arg5[%dma_start3A_232, %dma_start3A_233, %dma_start3A_234] : memref<2x2x200xi32, #tpu.memory_space<vmem>> -> memref<1x2x200xi32, #tpu.memory_space<vmem>>
        %dma_start3A_236 = tpu.memref_squeeze %dma_start3A_235 : memref<1x2x200xi32, #tpu.memory_space<vmem>> -> memref<2x200xi32, #tpu.memory_space<vmem>>
        %dma_start3A_237 = arith.constant 0 : i32
        %dma_start3A_238 = tpu.memref_slice %arg2[%add3A_231, %dma_start3A_237] : memref<4096x200xi32, #tpu.memory_space<hbm>> -> memref<2x200xi32, #tpu.memory_space<hbm>>
        %dma_start3A_239 = arith.constant 0 : i32
        %dma_start3A_240 = arith.constant 0 : i32
        %dma_start3A_241 = tpu.memref_slice %arg5[%dma_start3A_232, %dma_start3A_239, %dma_start3A_240] : memref<2x2x200xi32, #tpu.memory_space<vmem>> -> memref<1x2x200xi32, #tpu.memory_space<vmem>>
        %dma_start3A_242 = tpu.memref_squeeze %dma_start3A_241 : memref<1x2x200xi32, #tpu.memory_space<vmem>> -> memref<2x200xi32, #tpu.memory_space<vmem>>
        %dma_start3A_243 = arith.constant 0 : i32
        %dma_start3A_244 = tpu.memref_slice %arg2[%add3A_231, %dma_start3A_243] : memref<4096x200xi32, #tpu.memory_space<hbm>> -> memref<2x200xi32, #tpu.memory_space<hbm>>
        tpu.enqueue_dma source(%dma_start3A_244 : memref<2x200xi32, #tpu.memory_space<hbm>>) target(%dma_start3A_242 : memref<2x200xi32, #tpu.memory_space<vmem>>) target_semaphore(%arg7 : memref<!tpu.dma_semaphore, #tpu.memory_space<semaphore_mem>>)
      } else {
      }
      %mul3A_170 = arith.constant 2 : i32
      %mul3A_171 = arith.muli %mul3A_170, %scan3A_115 : i32
      %add3A_172 = arith.constant 1 : i32
      %add3A_173 = arith.addi %mul3A_171, %add3A_172 : i32
      %add3A_174 = arith.constant 1 : i32
      %add3A_175 = arith.addi %add3A_173, %add3A_174 : i32
      %lt3A_176 = arith.constant 64 : i32
      %lt3A_177 = arith.cmpi slt, %add3A_175, %lt3A_176 : i32
      %convert_element_type3A_178 = arith.extui %lt3A_177 : i1 to i32
      %cond3A_179 = arith.constant 0 : i32
      %cond3A_180 = arith.cmpi ne, %convert_element_type3A_178, %cond3A_179 : i32
      scf.if %cond3A_180 {
        %dma_wait3A_227 = arith.constant 0 : i32
        %dma_wait3A_228 = arith.constant 0 : i32
        %dma_wait3A_229 = arith.constant 0 : i32
        %dma_wait3A_230 = tpu.memref_slice %arg5[%dma_wait3A_227, %dma_wait3A_228, %dma_wait3A_229] : memref<2x2x200xi32, #tpu.memory_space<vmem>> -> memref<1x2x200xi32, #tpu.memory_space<vmem>>
        %dma_wait3A_231 = tpu.memref_squeeze %dma_wait3A_230 : memref<1x2x200xi32, #tpu.memory_space<vmem>> -> memref<2x200xi32, #tpu.memory_space<vmem>>
        %dma_wait3A_232 = arith.constant 0 : i32
        %dma_wait3A_233 = arith.constant 0 : i32
        %dma_wait3A_234 = tpu.memref_slice %arg2[%dma_wait3A_232, %dma_wait3A_233] : memref<4096x200xi32, #tpu.memory_space<hbm>> -> memref<2x200xi32, #tpu.memory_space<hbm>>
        %dma_wait3A_235 = arith.constant 0 : i32
        %dma_wait3A_236 = arith.constant 0 : i32
        %dma_wait3A_237 = tpu.memref_slice %arg5[%dma_wait3A_227, %dma_wait3A_235, %dma_wait3A_236] : memref<2x2x200xi32, #tpu.memory_space<vmem>> -> memref<1x2x200xi32, #tpu.memory_space<vmem>>
        %dma_wait3A_238 = tpu.memref_squeeze %dma_wait3A_237 : memref<1x2x200xi32, #tpu.memory_space<vmem>> -> memref<2x200xi32, #tpu.memory_space<vmem>>
        %dma_wait3A_239 = arith.constant 0 : i32
        %dma_wait3A_240 = arith.constant 0 : i32
        %dma_wait3A_241 = tpu.memref_slice %arg2[%dma_wait3A_239, %dma_wait3A_240] : memref<4096x200xi32, #tpu.memory_space<hbm>> -> memref<2x200xi32, #tpu.memory_space<hbm>>
        tpu.wait_dma2 semaphore(%arg7 : memref<!tpu.dma_semaphore, #tpu.memory_space<semaphore_mem>>) src(%dma_wait3A_241 : memref<2x200xi32, #tpu.memory_space<hbm>>) dst(%dma_wait3A_238 : memref<2x200xi32, #tpu.memory_space<vmem>>)
        %ge3A = arith.constant 1 : i32
        %ge3A_242 = arith.cmpi sge, %add3A_173, %ge3A : i32
        %convert_element_type3A_243 = arith.extui %ge3A_242 : i1 to i32
        %cond3A_244 = arith.constant 0 : i32
        %cond3A_245 = arith.cmpi ne, %convert_element_type3A_243, %cond3A_244 : i32
        scf.if %cond3A_245 {
          %dma_wait3A_304 = arith.constant 0 : i32
          %dma_wait3A_305 = arith.constant 0 : i32
          %dma_wait3A_306 = arith.constant 0 : i32
          %dma_wait3A_307 = arith.constant 0 : i32
          %dma_wait3A_308 = tpu.memref_slice %arg6[%dma_wait3A_304, %dma_wait3A_305, %dma_wait3A_306, %dma_wait3A_307] : memref<2x2x200x128xf32, #tpu.memory_space<vmem>> -> memref<1x2x200x128xf32, #tpu.memory_space<vmem>>
          %dma_wait3A_309 = tpu.memref_squeeze %dma_wait3A_308 : memref<1x2x200x128xf32, #tpu.memory_space<vmem>> -> memref<2x200x128xf32, #tpu.memory_space<vmem>>
          %dma_wait3A_310 = arith.constant 0 : i32
          %dma_wait3A_311 = arith.constant 0 : i32
          %dma_wait3A_312 = arith.constant 0 : i32
          %dma_wait3A_313 = tpu.memref_slice %arg4[%dma_wait3A_310, %dma_wait3A_311, %dma_wait3A_312] : memref<4096x200x128xf32, #tpu.memory_space<hbm>> -> memref<2x200x128xf32, #tpu.memory_space<hbm>>
          %dma_wait3A_314 = arith.constant 0 : i32
          %dma_wait3A_315 = arith.constant 0 : i32
          %dma_wait3A_316 = arith.constant 0 : i32
          %dma_wait3A_317 = tpu.memref_slice %arg6[%dma_wait3A_304, %dma_wait3A_314, %dma_wait3A_315, %dma_wait3A_316] : memref<2x2x200x128xf32, #tpu.memory_space<vmem>> -> memref<1x2x200x128xf32, #tpu.memory_space<vmem>>
          %dma_wait3A_318 = tpu.memref_squeeze %dma_wait3A_317 : memref<1x2x200x128xf32, #tpu.memory_space<vmem>> -> memref<2x200x128xf32, #tpu.memory_space<vmem>>
          %dma_wait3A_319 = arith.constant 0 : i32
          %dma_wait3A_320 = arith.constant 0 : i32
          %dma_wait3A_321 = arith.constant 0 : i32
          %dma_wait3A_322 = tpu.memref_slice %arg4[%dma_wait3A_319, %dma_wait3A_320, %dma_wait3A_321] : memref<4096x200x128xf32, #tpu.memory_space<hbm>> -> memref<2x200x128xf32, #tpu.memory_space<hbm>>
          tpu.wait_dma2 semaphore(%arg9 : memref<!tpu.dma_semaphore, #tpu.memory_space<semaphore_mem>>) src(%dma_wait3A_322 : memref<2x200x128xf32, #tpu.memory_space<hbm>>) dst(%dma_wait3A_318 : memref<2x200x128xf32, #tpu.memory_space<vmem>>)
        } else {
        }
        %add3A_246 = arith.constant 1 : i32
        %add3A_247 = arith.addi %add3A_173, %add3A_246 : i32
        %dma_start3A_248 = arith.constant 0 : i32
        %dma_start3A_249 = arith.constant 0 : i32
        %dma_start3A_250 = arith.constant 0 : i32
        %dma_start3A_251 = arith.constant 0 : i32
        %dma_start3A_252 = arith.constant 0 : i32
        %dma_start3A_253 = arith.constant 0 : i32
        %dma_start3A_254 = tpu.memref_slice %arg6[%dma_start3A_250, %dma_start3A_251, %dma_start3A_252, %dma_start3A_253] : memref<2x2x200x128xf32, #tpu.memory_space<vmem>> -> memref<1x1x128x128xf32, #tpu.memory_space<vmem>>
        %dma_start3A_255 = tpu.memref_squeeze %dma_start3A_254 : memref<1x1x128x128xf32, #tpu.memory_space<vmem>> -> memref<128x128xf32, #tpu.memory_space<vmem>>
        %dma_start3A_256 = arith.constant 0 : i32
        %dma_start3A_257 = tpu.memref_slice %arg5[%dma_start3A_248, %dma_start3A_249, %dma_start3A_256] : memref<2x2x200xi32, #tpu.memory_space<vmem>> -> memref<1x1x128xi32, #tpu.memory_space<vmem>>
        %dma_start3A_258 = tpu.memref_squeeze %dma_start3A_257 : memref<1x1x128xi32, #tpu.memory_space<vmem>> -> memref<128xi32, #tpu.memory_space<vmem>>
        %dma_start3A_259 = arith.constant 0 : i32
        %dma_start3A_260 = arith.constant 0 : i32
        %dma_start3A_261 = tpu.memref_slice %arg3[%dma_start3A_259, %dma_start3A_260] : memref<1000000x128xf32, #tpu.memory_space<hbm>> -> memref<1000000x128xf32, #tpu.memory_space<hbm>>
        tpu.enqueue_indirect_dma source(%dma_start3A_261 : memref<1000000x128xf32, #tpu.memory_space<hbm>>) target(%dma_start3A_255 : memref<128x128xf32, #tpu.memory_space<vmem>>) offsets(%dma_start3A_258 : memref<128xi32, #tpu.memory_space<vmem>>) semaphore(%arg8 : memref<!tpu.dma_semaphore, #tpu.memory_space<semaphore_mem>>)
        %dma_start3A_262 = arith.constant 0 : i32
        %dma_start3A_263 = arith.constant 0 : i32
        %dma_start3A_264 = arith.constant 0 : i32
        %dma_start3A_265 = arith.constant 0 : i32
        %dma_start3A_266 = arith.constant 128 : i32
        %dma_start3A_267 = arith.constant 0 : i32
        %dma_start3A_268 = tpu.memref_slice %arg6[%dma_start3A_264, %dma_start3A_265, %dma_start3A_266, %dma_start3A_267] : memref<2x2x200x128xf32, #tpu.memory_space<vmem>> -> memref<1x1x72x128xf32, #tpu.memory_space<vmem>>
        %dma_start3A_269 = tpu.memref_squeeze %dma_start3A_268 : memref<1x1x72x128xf32, #tpu.memory_space<vmem>> -> memref<72x128xf32, #tpu.memory_space<vmem>>
        %dma_start3A_270 = arith.constant 128 : i32
        %dma_start3A_271 = tpu.memref_slice %arg5[%dma_start3A_262, %dma_start3A_263, %dma_start3A_270] : memref<2x2x200xi32, #tpu.memory_space<vmem>> -> memref<1x1x72xi32, #tpu.memory_space<vmem>>
        %dma_start3A_272 = tpu.memref_squeeze %dma_start3A_271 : memref<1x1x72xi32, #tpu.memory_space<vmem>> -> memref<72xi32, #tpu.memory_space<vmem>>
        %dma_start3A_273 = arith.constant 0 : i32
        %dma_start3A_274 = arith.constant 0 : i32
        %dma_start3A_275 = tpu.memref_slice %arg3[%dma_start3A_273, %dma_start3A_274] : memref<1000000x128xf32, #tpu.memory_space<hbm>> -> memref<1000000x128xf32, #tpu.memory_space<hbm>>
        tpu.enqueue_indirect_dma source(%dma_start3A_275 : memref<1000000x128xf32, #tpu.memory_space<hbm>>) target(%dma_start3A_269 : memref<72x128xf32, #tpu.memory_space<vmem>>) offsets(%dma_start3A_272 : memref<72xi32, #tpu.memory_space<vmem>>) semaphore(%arg8 : memref<!tpu.dma_semaphore, #tpu.memory_space<semaphore_mem>>)
        %dma_start3A_276 = arith.constant 0 : i32
        %dma_start3A_277 = arith.constant 1 : i32
        %dma_start3A_278 = arith.constant 0 : i32
        %dma_start3A_279 = arith.constant 1 : i32
        %dma_start3A_280 = arith.constant 0 : i32
        %dma_start3A_281 = arith.constant 0 : i32
        %dma_start3A_282 = tpu.memref_slice %arg6[%dma_start3A_278, %dma_start3A_279, %dma_start3A_280, %dma_start3A_281] : memref<2x2x200x128xf32, #tpu.memory_space<vmem>> -> memref<1x1x128x128xf32, #tpu.memory_space<vmem>>
        %dma_start3A_283 = tpu.memref_squeeze %dma_start3A_282 : memref<1x1x128x128xf32, #tpu.memory_space<vmem>> -> memref<128x128xf32, #tpu.memory_space<vmem>>
        %dma_start3A_284 = arith.constant 0 : i32
        %dma_start3A_285 = tpu.memref_slice %arg5[%dma_start3A_276, %dma_start3A_277, %dma_start3A_284] : memref<2x2x200xi32, #tpu.memory_space<vmem>> -> memref<1x1x128xi32, #tpu.memory_space<vmem>>
        %dma_start3A_286 = tpu.memref_squeeze %dma_start3A_285 : memref<1x1x128xi32, #tpu.memory_space<vmem>> -> memref<128xi32, #tpu.memory_space<vmem>>
        %dma_start3A_287 = arith.constant 0 : i32
        %dma_start3A_288 = arith.constant 0 : i32
        %dma_start3A_289 = tpu.memref_slice %arg3[%dma_start3A_287, %dma_start3A_288] : memref<1000000x128xf32, #tpu.memory_space<hbm>> -> memref<1000000x128xf32, #tpu.memory_space<hbm>>
        tpu.enqueue_indirect_dma source(%dma_start3A_289 : memref<1000000x128xf32, #tpu.memory_space<hbm>>) target(%dma_start3A_283 : memref<128x128xf32, #tpu.memory_space<vmem>>) offsets(%dma_start3A_286 : memref<128xi32, #tpu.memory_space<vmem>>) semaphore(%arg8 : memref<!tpu.dma_semaphore, #tpu.memory_space<semaphore_mem>>)
        %dma_start3A_290 = arith.constant 0 : i32
        %dma_start3A_291 = arith.constant 1 : i32
        %dma_start3A_292 = arith.constant 0 : i32
        %dma_start3A_293 = arith.constant 1 : i32
        %dma_start3A_294 = arith.constant 128 : i32
        %dma_start3A_295 = arith.constant 0 : i32
        %dma_start3A_296 = tpu.memref_slice %arg6[%dma_start3A_292, %dma_start3A_293, %dma_start3A_294, %dma_start3A_295] : memref<2x2x200x128xf32, #tpu.memory_space<vmem>> -> memref<1x1x72x128xf32, #tpu.memory_space<vmem>>
        %dma_start3A_297 = tpu.memref_squeeze %dma_start3A_296 : memref<1x1x72x128xf32, #tpu.memory_space<vmem>> -> memref<72x128xf32, #tpu.memory_space<vmem>>
        %dma_start3A_298 = arith.constant 128 : i32
        %dma_start3A_299 = tpu.memref_slice %arg5[%dma_start3A_290, %dma_start3A_291, %dma_start3A_298] : memref<2x2x200xi32, #tpu.memory_space<vmem>> -> memref<1x1x72xi32, #tpu.memory_space<vmem>>
        %dma_start3A_300 = tpu.memref_squeeze %dma_start3A_299 : memref<1x1x72xi32, #tpu.memory_space<vmem>> -> memref<72xi32, #tpu.memory_space<vmem>>
        %dma_start3A_301 = arith.constant 0 : i32
        %dma_start3A_302 = arith.constant 0 : i32
        %dma_start3A_303 = tpu.memref_slice %arg3[%dma_start3A_301, %dma_start3A_302] : memref<1000000x128xf32, #tpu.memory_space<hbm>> -> memref<1000000x128xf32, #tpu.memory_space<hbm>>
        tpu.enqueue_indirect_dma source(%dma_start3A_303 : memref<1000000x128xf32, #tpu.memory_space<hbm>>) target(%dma_start3A_297 : memref<72x128xf32, #tpu.memory_space<vmem>>) offsets(%dma_start3A_300 : memref<72xi32, #tpu.memory_space<vmem>>) semaphore(%arg8 : memref<!tpu.dma_semaphore, #tpu.memory_space<semaphore_mem>>)
      } else {
      }
      %dma_wait3A_181 = arith.constant 1 : i32
      %dma_wait3A_182 = arith.constant 0 : i32
      %dma_wait3A_183 = arith.constant 0 : i32
      %dma_wait3A_184 = arith.constant 0 : i32
      %dma_wait3A_185 = tpu.memref_slice %arg6[%dma_wait3A_181, %dma_wait3A_182, %dma_wait3A_183, %dma_wait3A_184] : memref<2x2x200x128xf32, #tpu.memory_space<vmem>> -> memref<1x2x200x128xf32, #tpu.memory_space<vmem>>
      %dma_wait3A_186 = tpu.memref_squeeze %dma_wait3A_185 : memref<1x2x200x128xf32, #tpu.memory_space<vmem>> -> memref<2x200x128xf32, #tpu.memory_space<vmem>>
      %dma_wait3A_187 = arith.constant 0 : i32
      %dma_wait3A_188 = arith.constant 0 : i32
      %dma_wait3A_189 = arith.constant 0 : i32
      %dma_wait3A_190 = tpu.memref_slice %arg4[%dma_wait3A_187, %dma_wait3A_188, %dma_wait3A_189] : memref<4096x200x128xf32, #tpu.memory_space<hbm>> -> memref<2x200x128xf32, #tpu.memory_space<hbm>>
      %dma_wait3A_191 = arith.constant 0 : i32
      %dma_wait3A_192 = arith.constant 0 : i32
      %dma_wait3A_193 = arith.constant 0 : i32
      %dma_wait3A_194 = tpu.memref_slice %arg6[%dma_wait3A_181, %dma_wait3A_191, %dma_wait3A_192, %dma_wait3A_193] : memref<2x2x200x128xf32, #tpu.memory_space<vmem>> -> memref<1x2x200x128xf32, #tpu.memory_space<vmem>>
      %dma_wait3A_195 = tpu.memref_squeeze %dma_wait3A_194 : memref<1x2x200x128xf32, #tpu.memory_space<vmem>> -> memref<2x200x128xf32, #tpu.memory_space<vmem>>
      %dma_wait3A_196 = arith.constant 0 : i32
      %dma_wait3A_197 = arith.constant 0 : i32
      %dma_wait3A_198 = arith.constant 0 : i32
      %dma_wait3A_199 = tpu.memref_slice %arg4[%dma_wait3A_196, %dma_wait3A_197, %dma_wait3A_198] : memref<4096x200x128xf32, #tpu.memory_space<hbm>> -> memref<2x200x128xf32, #tpu.memory_space<hbm>>
      tpu.wait_dma2 semaphore(%arg8 : memref<!tpu.dma_semaphore, #tpu.memory_space<semaphore_mem>>) src(%dma_wait3A_199 : memref<2x200x128xf32, #tpu.memory_space<hbm>>) dst(%dma_wait3A_195 : memref<2x200x128xf32, #tpu.memory_space<vmem>>)
      %mul3A_200 = arith.constant 2 : i32
      %mul3A_201 = arith.muli %add3A_173, %mul3A_200 : i32
      %add3A_202 = arith.addi %mul3A_2, %mul3A_201 : i32
      %dma_start3A_203 = arith.constant 1 : i32
      %dma_start3A_204 = arith.constant 0 : i32
      %dma_start3A_205 = arith.constant 0 : i32
      %dma_start3A_206 = arith.constant 0 : i32
      %dma_start3A_207 = tpu.memref_slice %arg6[%dma_start3A_203, %dma_start3A_204, %dma_start3A_205, %dma_start3A_206] : memref<2x2x200x128xf32, #tpu.memory_space<vmem>> -> memref<1x2x200x128xf32, #tpu.memory_space<vmem>>
      %dma_start3A_208 = tpu.memref_squeeze %dma_start3A_207 : memref<1x2x200x128xf32, #tpu.memory_space<vmem>> -> memref<2x200x128xf32, #tpu.memory_space<vmem>>
      %dma_start3A_209 = arith.constant 0 : i32
      %dma_start3A_210 = arith.constant 0 : i32
      %dma_start3A_211 = tpu.memref_slice %arg4[%add3A_202, %dma_start3A_209, %dma_start3A_210] : memref<4096x200x128xf32, #tpu.memory_space<hbm>> -> memref<2x200x128xf32, #tpu.memory_space<hbm>>
      %dma_start3A_212 = arith.constant 0 : i32
      %dma_start3A_213 = arith.constant 0 : i32
      %dma_start3A_214 = tpu.memref_slice %arg4[%add3A_202, %dma_start3A_212, %dma_start3A_213] : memref<4096x200x128xf32, #tpu.memory_space<hbm>> -> memref<2x200x128xf32, #tpu.memory_space<hbm>>
      %dma_start3A_215 = arith.constant 0 : i32
      %dma_start3A_216 = arith.constant 0 : i32
      %dma_start3A_217 = arith.constant 0 : i32
      %dma_start3A_218 = tpu.memref_slice %arg6[%dma_start3A_203, %dma_start3A_215, %dma_start3A_216, %dma_start3A_217] : memref<2x2x200x128xf32, #tpu.memory_space<vmem>> -> memref<1x2x200x128xf32, #tpu.memory_space<vmem>>
      %dma_start3A_219 = tpu.memref_squeeze %dma_start3A_218 : memref<1x2x200x128xf32, #tpu.memory_space<vmem>> -> memref<2x200x128xf32, #tpu.memory_space<vmem>>
      tpu.enqueue_dma source(%dma_start3A_219 : memref<2x200x128xf32, #tpu.memory_space<vmem>>) target(%dma_start3A_214 : memref<2x200x128xf32, #tpu.memory_space<hbm>>) target_semaphore(%arg9 : memref<!tpu.dma_semaphore, #tpu.memory_space<semaphore_mem>>)
      %add3A_220 = arith.constant 2 : i32
      %add3A_221 = arith.addi %add3A_173, %add3A_220 : i32
      %lt3A_222 = arith.constant 64 : i32
      %lt3A_223 = arith.cmpi slt, %add3A_221, %lt3A_222 : i32
      %convert_element_type3A_224 = arith.extui %lt3A_223 : i1 to i32
      %cond3A_225 = arith.constant 0 : i32
      %cond3A_226 = arith.cmpi ne, %convert_element_type3A_224, %cond3A_225 : i32
      scf.if %cond3A_226 {
        %add3A_227 = arith.constant 2 : i32
        %add3A_228 = arith.addi %add3A_173, %add3A_227 : i32
        %mul3A_229 = arith.constant 2 : i32
        %mul3A_230 = arith.muli %add3A_228, %mul3A_229 : i32
        %add3A_231 = arith.addi %mul3A_2, %mul3A_230 : i32
        %dma_start3A_232 = arith.constant 1 : i32
        %dma_start3A_233 = arith.constant 0 : i32
        %dma_start3A_234 = arith.constant 0 : i32
        %dma_start3A_235 = tpu.memref_slice %arg5[%dma_start3A_232, %dma_start3A_233, %dma_start3A_234] : memref<2x2x200xi32, #tpu.memory_space<vmem>> -> memref<1x2x200xi32, #tpu.memory_space<vmem>>
        %dma_start3A_236 = tpu.memref_squeeze %dma_start3A_235 : memref<1x2x200xi32, #tpu.memory_space<vmem>> -> memref<2x200xi32, #tpu.memory_space<vmem>>
        %dma_start3A_237 = arith.constant 0 : i32
        %dma_start3A_238 = tpu.memref_slice %arg2[%add3A_231, %dma_start3A_237] : memref<4096x200xi32, #tpu.memory_space<hbm>> -> memref<2x200xi32, #tpu.memory_space<hbm>>
        %dma_start3A_239 = arith.constant 0 : i32
        %dma_start3A_240 = arith.constant 0 : i32
        %dma_start3A_241 = tpu.memref_slice %arg5[%dma_start3A_232, %dma_start3A_239, %dma_start3A_240] : memref<2x2x200xi32, #tpu.memory_space<vmem>> -> memref<1x2x200xi32, #tpu.memory_space<vmem>>
        %dma_start3A_242 = tpu.memref_squeeze %dma_start3A_241 : memref<1x2x200xi32, #tpu.memory_space<vmem>> -> memref<2x200xi32, #tpu.memory_space<vmem>>
        %dma_start3A_243 = arith.constant 0 : i32
        %dma_start3A_244 = tpu.memref_slice %arg2[%add3A_231, %dma_start3A_243] : memref<4096x200xi32, #tpu.memory_space<hbm>> -> memref<2x200xi32, #tpu.memory_space<hbm>>
        tpu.enqueue_dma source(%dma_start3A_244 : memref<2x200xi32, #tpu.memory_space<hbm>>) target(%dma_start3A_242 : memref<2x200xi32, #tpu.memory_space<vmem>>) target_semaphore(%arg7 : memref<!tpu.dma_semaphore, #tpu.memory_space<semaphore_mem>>)
      } else {
      }
    }
    %scan3A_77 = arith.constant 32 : i32
    %dma_wait3A = arith.constant 0 : i32
    %dma_wait3A_78 = arith.constant 0 : i32
    %dma_wait3A_79 = arith.constant 0 : i32
    %dma_wait3A_80 = arith.constant 0 : i32
    %dma_wait3A_81 = tpu.memref_slice %arg6[%dma_wait3A, %dma_wait3A_78, %dma_wait3A_79, %dma_wait3A_80] : memref<2x2x200x128xf32, #tpu.memory_space<vmem>> -> memref<1x2x200x128xf32, #tpu.memory_space<vmem>>
    %dma_wait3A_82 = tpu.memref_squeeze %dma_wait3A_81 : memref<1x2x200x128xf32, #tpu.memory_space<vmem>> -> memref<2x200x128xf32, #tpu.memory_space<vmem>>
    %dma_wait3A_83 = arith.constant 0 : i32
    %dma_wait3A_84 = arith.constant 0 : i32
    %dma_wait3A_85 = arith.constant 0 : i32
    %dma_wait3A_86 = tpu.memref_slice %arg4[%dma_wait3A_83, %dma_wait3A_84, %dma_wait3A_85] : memref<4096x200x128xf32, #tpu.memory_space<hbm>> -> memref<2x200x128xf32, #tpu.memory_space<hbm>>
    %dma_wait3A_87 = arith.constant 0 : i32
    %dma_wait3A_88 = arith.constant 0 : i32
    %dma_wait3A_89 = arith.constant 0 : i32
    %dma_wait3A_90 = tpu.memref_slice %arg6[%dma_wait3A, %dma_wait3A_87, %dma_wait3A_88, %dma_wait3A_89] : memref<2x2x200x128xf32, #tpu.memory_space<vmem>> -> memref<1x2x200x128xf32, #tpu.memory_space<vmem>>
    %dma_wait3A_91 = tpu.memref_squeeze %dma_wait3A_90 : memref<1x2x200x128xf32, #tpu.memory_space<vmem>> -> memref<2x200x128xf32, #tpu.memory_space<vmem>>
    %dma_wait3A_92 = arith.constant 0 : i32
    %dma_wait3A_93 = arith.constant 0 : i32
    %dma_wait3A_94 = arith.constant 0 : i32
    %dma_wait3A_95 = tpu.memref_slice %arg4[%dma_wait3A_92, %dma_wait3A_93, %dma_wait3A_94] : memref<4096x200x128xf32, #tpu.memory_space<hbm>> -> memref<2x200x128xf32, #tpu.memory_space<hbm>>
    tpu.wait_dma2 semaphore(%arg9 : memref<!tpu.dma_semaphore, #tpu.memory_space<semaphore_mem>>) src(%dma_wait3A_95 : memref<2x200x128xf32, #tpu.memory_space<hbm>>) dst(%dma_wait3A_91 : memref<2x200x128xf32, #tpu.memory_space<vmem>>)
    %dma_wait3A_96 = arith.constant 1 : i32
    %dma_wait3A_97 = arith.constant 0 : i32
    %dma_wait3A_98 = arith.constant 0 : i32
    %dma_wait3A_99 = arith.constant 0 : i32
    %dma_wait3A_100 = tpu.memref_slice %arg6[%dma_wait3A_96, %dma_wait3A_97, %dma_wait3A_98, %dma_wait3A_99] : memref<2x2x200x128xf32, #tpu.memory_space<vmem>> -> memref<1x2x200x128xf32, #tpu.memory_space<vmem>>
    %dma_wait3A_101 = tpu.memref_squeeze %dma_wait3A_100 : memref<1x2x200x128xf32, #tpu.memory_space<vmem>> -> memref<2x200x128xf32, #tpu.memory_space<vmem>>
    %dma_wait3A_102 = arith.constant 0 : i32
    %dma_wait3A_103 = arith.constant 0 : i32
    %dma_wait3A_104 = arith.constant 0 : i32
    %dma_wait3A_105 = tpu.memref_slice %arg4[%dma_wait3A_102, %dma_wait3A_103, %dma_wait3A_104] : memref<4096x200x128xf32, #tpu.memory_space<hbm>> -> memref<2x200x128xf32, #tpu.memory_space<hbm>>
    %dma_wait3A_106 = arith.constant 0 : i32
    %dma_wait3A_107 = arith.constant 0 : i32
    %dma_wait3A_108 = arith.constant 0 : i32
    %dma_wait3A_109 = tpu.memref_slice %arg6[%dma_wait3A_96, %dma_wait3A_106, %dma_wait3A_107, %dma_wait3A_108] : memref<2x2x200x128xf32, #tpu.memory_space<vmem>> -> memref<1x2x200x128xf32, #tpu.memory_space<vmem>>
    %dma_wait3A_110 = tpu.memref_squeeze %dma_wait3A_109 : memref<1x2x200x128xf32, #tpu.memory_space<vmem>> -> memref<2x200x128xf32, #tpu.memory_space<vmem>>
    %dma_wait3A_111 = arith.constant 0 : i32
    %dma_wait3A_112 = arith.constant 0 : i32
    %dma_wait3A_113 = arith.constant 0 : i32
    %dma_wait3A_114 = tpu.memref_slice %arg4[%dma_wait3A_111, %dma_wait3A_112, %dma_wait3A_113] : memref<4096x200x128xf32, #tpu.memory_space<hbm>> -> memref<2x200x128xf32, #tpu.memory_space<hbm>>
    tpu.wait_dma2 semaphore(%arg9 : memref<!tpu.dma_semaphore, #tpu.memory_space<semaphore_mem>>) src(%dma_wait3A_114 : memref<2x200x128xf32, #tpu.memory_space<hbm>>) dst(%dma_wait3A_110 : memref<2x200x128xf32, #tpu.memory_space<vmem>>)
    return
  }
}

</mosaic_0001>

<sc_bundles>
// kernel: kernel.3.cloned.1.call-start
scs
__scs_entry_jumppad:
0x0: {  	(pc) =	sbr.rel $0x88, $3  }
0x1: {  	(tag) =	ssettag $0x0;
	lr =	simm.s32 $0x1  }
0x2: {  	[smem:$0x3F9F] =	sst lr;
	_ =	strace $0xD0000000  }
0x3: {  	_ = 	snop  }
0x4: {  	_ = 	snop  }
0x5: {  	_ = 	snop  }
0x6: {  	_ = 	snop  }
0x7: {  	_ = 	snop  }
__scs_overlays_trampoline_lowered:
0x8: {  	[smem:$0x3FAE] =	sst s0  }
0x9: {  	[smem:$0x3FAF] =	sst s1  }
0xa: {  	[smem:$0x3FB0] =	sst s2  }
0xb: {  	[smem:$0x3FB1] =	sst s3  }
0xc: {  	[smem:$0x3FB2] =	sst s4  }
0xd: {  	[smem:$0x3FB3] =	sst s5  }
0xe: {  	[smem:$0x3FB4] =	sst s6  }
0xf: {  	[smem:$0x3FB5] =	sst s7  }
0x10: {  	[smem:$0x3FB6] =	sst s8  }
0x11: {  	[smem:$0x3FB7] =	sst s9;
	s0 =	simm.s32 @!p0 $0x0  }
0x12: {  	s1 =	sld [smem:$0x3F9D];
	s0 =	simm.s32 @p0 $0x1  }
0x13: {  	[smem:$0x3FB8] =	sst s0;
	s0 =	simm.s32 @!p1 $0x0  }
0x14: {  	s2 =	sld [smem:$0x3F9C];
	s0 =	simm.s32 @p1 $0x1  }
0x15: {  	[smem:$0x3FB9] =	sst s0;
	s0 =	simm.s32 @!p2 $0x0  }
0x16: {  	s3 =	sld [smem:$0x3FDB];
	s0 =	simm.s32 @p2 $0x1  }
0x17: {  	s4 =	simm.s32 $0x1BF5;
	[smem:$0x3FBB] =	sst s0  }
0x18: {  	s0 =	sld [smem:$0x3F9E];
	_ =	swait.ge [sflag:s4], $0x0  }
0x19: {  	s7 =	sld [smem:$0x3F9F]  }
0x1a: {  	s8 =	sadd.s32 $0xFFFFE003, lr  }
0x1b: {  	s9 =	sadd.s32 $0xFFFFFEF7, lr;
	s5 =	simm.s32 $0xFFFFFFFF;
	p2 =	slt.u32 s8, $0xFFFFF086  }
0x1c: {  	p1 =	slt.u32 s9, $0xF7A;
	s5 =	simm.s32 @!p2 $0x0  }
0x1d: {  	s5 =	simm.s32 @p1 $0x1;
	p0 =	seq.s32 s7, s2  }
0x1e: {  	s7 =	smul.u32 @!p0 $0xF7A, s2;
	p2 =	seq.s32 @!p0 s5, $0x0  }
0x1f: {  	s9 =	smul.u32 $0xF7A, s1;
	s8 =	simm.s32 @!p0 $0x1BF5;
	p2 =	por !p2, p0  }
0x20: {  	[sflag:s8] =	ssyncset.s32 @!p0 $0xFFFFF086;
	s6 =	sadd.s32 @!p0 s3, s7;
	s7 =	simm.s32 @!p0 $0x108  }
0x21: {  	s3 =	sadd.s32 s3, s9;
	s6 =	sadd.s32 @!p0 $0x88, s6;
	s7 =	simm.s32 @p2 $0x1082  }
0x22: {  	[simem:s7], [sflag:s8] =	dma.local @!p0 [hbm:s6], $0xF7A  }
0x23: {  	s9 =	sor.u32 $0xD0000000, s2;
	s6 =	simm.s32 $0x108;
	_ =	swait.ge @!p0 [sflag:s8], $0x0  }
0x24: {  	s3 =	sadd.s32 $0x88, s3;
	s6 =	simm.s32 @!p1 $0x1082;
	[sflag:s4] =	ssyncset.s32 $0xFFFFF086  }
0x25: {  	[simem:s6], [sflag:s4] =	dma.local [hbm:s3], $0xF7A  }
0x26: {  	[smem:$0x3F9F] =	sst s1;
	(tag) =	ssettag s2;
	_ =	strace s9  }
0x27: {  	s1 =	sld [smem:$0x3FAF]  }
0x28: {  	s2 =	sld [smem:$0x3FB0]  }
0x29: {  	s4 =	sld [smem:$0x3FB2]  }
0x2a: {  	p0 =	seq.s32 s5, $0x0;
	s5 =	sld [smem:$0x3FB3]  }
0x2b: {  	s6 =	sld [smem:$0x3FB4]  }
0x2c: {  	s7 =	sld [smem:$0x3FB5]  }
0x2d: {  	s3 =	simm.s32 $0x108;
	s8 =	sld [smem:$0x3FB6]  }
0x2e: {  	s3 =	simm.s32 @!p0 $0x1082;
	s9 =	sld [smem:$0x3FB7]  }
0x2f: {  	lr =	sadd.s32 s0, s3;
	s0 =	sld [smem:$0x3FAE]  }
0x30: {  	s3 =	sld [smem:$0x3FB1]  }
0x31: {  	[smem:$0x3FBA] =	sst s10  }
0x32: {  	s10 =	sld [smem:$0x3FB8];
	_ =	sdelay $0x3  }
0x33: {  	p0 =	seq.s32 s10, $0x1;
	s10 =	sld [smem:$0x3FBA];
	_ =	sdelay $0x3  }
0x34: {  	[smem:$0x3FBA] =	sst s10  }
0x35: {  	s10 =	sld [smem:$0x3FB9];
	_ =	sdelay $0x3  }
0x36: {  	p1 =	seq.s32 s10, $0x1;
	s10 =	sld [smem:$0x3FBA];
	_ =	sdelay $0x3  }
0x37: {  	[smem:$0x3FBA] =	sst s10  }
0x38: {  	s10 =	sld [smem:$0x3FBB]  }
0x39: {  	_ = 	snop;
	(pc) =	sbr.ind lr, $3  }
0x3a: {  	_ = 	snop  }
0x3b: {  	_ = 	snop  }
0x3c: {  	p2 =	seq.s32 s10, $0x1;
	s10 =	sld [smem:$0x3FBA]  }
0x3d: {  	_ =	shalt  }
0x3e: {  	_ =	shalt  }
0x3f: {  	_ =	shalt  }
0x40: {  	_ =	shalt  }
0x41: {  	_ =	shalt  }
0x42: {  	_ =	shalt  }
0x43: {  	_ =	shalt  }
0x44: {  	_ =	shalt  }
0x45: {  	_ =	shalt  }
0x46: {  	_ =	shalt  }
0x47: {  	_ =	shalt  }
0x48: {  	_ =	shalt  }
0x49: {  	_ =	shalt  }
0x4a: {  	_ =	shalt  }
0x4b: {  	_ =	shalt  }
0x4c: {  	_ =	shalt  }
0x4d: {  	_ =	shalt  }
0x4e: {  	_ =	shalt  }
0x4f: {  	_ =	shalt  }
0x50: {  	_ =	shalt  }
0x51: {  	_ =	shalt  }
0x52: {  	_ =	shalt  }
0x53: {  	_ =	shalt  }
0x54: {  	_ =	shalt  }
0x55: {  	_ =	shalt  }
0x56: {  	_ =	shalt  }
0x57: {  	_ =	shalt  }
0x58: {  	_ =	shalt  }
0x59: {  	_ =	shalt  }
0x5a: {  	_ =	shalt  }
0x5b: {  	_ =	shalt  }
0x5c: {  	_ =	shalt  }
0x5d: {  	_ =	shalt  }
0x5e: {  	_ =	shalt  }
0x5f: {  	_ =	shalt  }
0x60: {  	_ =	shalt  }
0x61: {  	_ =	shalt  }
0x62: {  	_ =	shalt  }
0x63: {  	_ =	shalt  }
0x64: {  	_ =	shalt  }
0x65: {  	_ =	shalt  }
0x66: {  	_ =	shalt  }
0x67: {  	_ =	shalt  }
0x68: {  	_ =	shalt  }
0x69: {  	_ =	shalt  }
0x6a: {  	_ =	shalt  }
0x6b: {  	_ =	shalt  }
0x6c: {  	_ =	shalt  }
0x6d: {  	_ =	shalt  }
0x6e: {  	_ =	shalt  }
0x6f: {  	_ =	shalt  }
0x70: {  	_ =	shalt  }
0x71: {  	_ =	shalt  }
0x72: {  	_ =	shalt  }
0x73: {  	_ =	shalt  }
0x74: {  	_ =	shalt  }
0x75: {  	_ =	shalt  }
0x76: {  	_ =	shalt  }
0x77: {  	_ =	shalt  }
0x78: {  	_ =	shalt  }
0x79: {  	_ =	shalt  }
0x7a: {  	_ =	shalt  }
0x7b: {  	_ =	shalt  }
0x7c: {  	_ =	shalt  }
0x7d: {  	_ =	shalt  }
0x7e: {  	_ =	shalt  }
0x7f: {  	_ =	shalt  }
0x80: {  	_ =	shalt  }
0x81: {  	_ =	shalt  }
0x82: {  	_ =	shalt  }
0x83: {  	_ =	shalt  }
0x84: {  	_ =	shalt  }
0x85: {  	_ =	shalt  }
0x86: {  	_ =	shalt  }
0x87: {  	_ =	shalt  }
.Lfunc_end0:
.L_simem_size_0:
called_computation.1_lowered:
.L_overlay_start_0:
0x88: {  	s2 =	sld [smem:$0x3FD9]  }
0x89: {  	s3 =	sld [smem:$0x3FFE];
	_ =	sdelay $0x1  }
0x8a: {  	s1 =	srdreg.scid  }
0x8b: {  	s0 =	sand.u32 $0x1, s1  }
0x8c: {  	s17 =	sshll.u32 s0, $0xA;
	s2 =	sadd.s32 s3, s2  }
0x8d: {  	s2 =	sadd.s32 s2, s17  }
0x8e: {  	[smem:$0x3FC6] =	sst s2  }
0x8f: {  	_ = 	snop  }
0x90: {  	s2 =	sld [smem:$0x3FD0];
	(tm) =	ssettm $0x1  }
0x91: {  	s18 =	sld [smem:$0x3FFB];
	_ =	sdelay $0x3  }
0x92: {  	_ =	strace s18  }
0x93: {  	s3 =	sld [smem:$0x3FFC];
	_ =	sdelay $0x3  }
0x94: {  	_ =	strace s3  }
0x95: {  	s3 =	sld [smem:$0x3FFD];
	_ =	sdelay $0x3  }
0x96: {  	_ =	strace s3  }
0x97: {  	_ =	strace $0x8FFFFFFF  }
0x98: {  	s19 =	sld [smem:$0x3FDB];
	_ =	sdelay $0x1  }
0x99: {  	s4 =	simm.s32 $_scs_section_size  }
0x9a: {  	s5 =	simm.s32 $_size__tile_overlayer_lowered;
	s6 =	simm.s32 $_tile_overlayer_lowered  }
0x9b: {  	s22 =	simm.s32 $0x1BFF;
	s21 =	sshll.u32 s6, $0x1;
	s3 =	sadd.s32 s4, s19  }
0x9c: {  	s7 =	simm.s32 $0x0;
	s20 =	sshll.u32 s5, $0x1;
	s5 =	sadd.s32 s21, s3  }
0x9d: {  	[timem:s7], [sflag:s22] =	dma.local [hbm:s5], s20  }
0x9e: {  	_ =	swait.ge [sflag:s22], s20  }
0x9f: {  	s4 =	ssub.s32 $0x0, s20;
	[sflag:s22] =	ssyncset.done $0x0  }
0xa0: {  	[sflag:s22] =	ssyncadd.s32 s4;
	_ =	sdelay $0x1  }
0xa1: {  	s23 =	simm.s32 $0x1B8B  }
0xa2: {  	_ =	swait.ge [sflag:s23], $0x1  }
0xa3: {  	[sflag:s23] =	ssyncset.done $0x0  }
0xa4: {  	s25 =	simm.s32 $0x1B8E;
	s24 =	sld [smem:$0x3FFE];
	[sflag:s23] =	ssyncadd.s32 $0xFFFFFFFF  }
0xa5: {  	s26 =	simm.s32 $execute0_lowered;
	[smem:$0x3FD2] =	sst s25  }
0xa6: {  	s5 =	sshll.u32 s26, $0x1;
	_ =	strace $0x80000046;
	[dreg:$0x1] =	wrdreg $0xFFFFFFFF  }
0xa7: {  	s28 =	simm.s32 $_size_execute0_lowered;
	s3 =	sadd.s32 s3, s5;
	[dreg:$0x0] =	wrdreg $0x0  }
0xa8: {  	s5 =	sshll.u32 s28, $0x1;
	[dreg:$0x2] =	wrdreg s3  }
0xa9: {  	[dreg:$0x3] =	wrdreg s5  }
0xaa: {  	[dreg:$0x4] =	wrdreg $0xC0  }
0xab: {  	_ =	task [dreg:s7], $0x5FFFF  }
0xac: {  	[dreg:$0x1] =	wrdreg $0xFFFFFFFF  }
0xad: {  	[dreg:$0x0] =	wrdreg $0x60  }
0xae: {  	[dreg:$0x2] =	wrdreg s2  }
0xaf: {  	[dreg:$0x3] =	wrdreg s24  }
0xb0: {  	[dreg:$0x4] =	wrdreg $0x9  }
0xb1: {  	_ =	task.clear_ibuf [dreg:s7], $0x5FFFF;
	_ =	strace $0x90000046  }
0xb2: {  	s29 =	simm.s32 $0x9;
	_ =	strace $0x80000048  }
0xb3: {  	_ =	swait.ge [sflag:s29], $0x1  }
0xb4: {  	[sflag:s29] =	ssyncadd.s32 $0xFFFFFFFF  }
0xb5: {  	_ =	strace $0x90000048  }
0xb6: {  	_ =	sfence  }
0xb7: {  	s30 =	sld [smem:$0x0];
	_ =	sdelay $0x2  }
0xb8: {  	s31 =	sshll.u32 s1, $0xD;
	s1 =	sshrl.u32 s1, $0x2  }
0xb9: {  	s3 =	sand.u32 $0x4000, s31;
	s1 =	sadd.s32 s1, s30  }
0xba: {  	s0 =	sor.u32 s3, s0;
	s1 =	sshll.u32 s1, $0x11  }
0xbb: {  	s0 =	sor.u32 s1, s0  }
0xbc: {  	s0 =	sadd.s32 $0x8F2B, s0  }
0xbd: {  	[sflag:s0] =	ssyncadd.remote.s32 $0x1  }
0xbe: {  	_ =	sfence.sel $0xFFFF  }
0xbf: {  	[dreg:$0x0] =	wrdreg $0xFFFFFFFF;
	(pc) =	sbr.abs _section_cstart, $3  }
0xc0: {  	[dreg:$0x1] =	wrdreg $0xFFFFFFFF  }
0xc1: {  	_ =	task.clear_ibuf [dreg:s7], $0x2FFFF;
	_ =	strace $0x9FFFFFFF  }
0xc2: {  	(tm) =	ssettm $0x7FFFFFFF  }
0xc3: {  	_ =	shalt  }
tec
execute0_lowered:
.L_overlay_start_1:
0x0: {  	(tag) =	ssettag $0x1  }
0x1: {  	s1 =	rddreg [dreg:$0x0]  }
0x2: {  	s0 =	rddreg [dreg:$0x1];
	s2 =	simm.s32 $0x0;
	s3 =	srdreg.scid  }
0x3: {  	s6 =	stileid.u32;
	s10 =	simm.s32 $0x100;
	s11 =	simm.s32 $0x400  }
0x4: {  	s12 =	simm.s32 $0x4;
	s13 =	simm.s32 $0x80;
	s14 =	simm.s32 $0x48  }
0x5: {  	s19 =	simm.s32 $0x200;
	s20 =	simm.s32 $0x1;
	s21 =	simm.s32 $0xCC00  }
0x6: {  	s22 =	simm.s32 $0x300;
	s23 =	simm.s32 $0x10C00;
	s28 =	simm.s32 $0x17000  }
0x7: {  	s29 =	simm.s32 $0x2;
	s30 =	simm.s32 $0x3;
	s31 =	simm.s32 $0x0  }
0x8: {  	[smem:$0x7FF] =	sst s2;
	s4 =	sadd.s32 $0xF42E00, s0;
	s3 =	sand.u32 $0x1, s3  }
0x9: {  	s5 =	smul.u32 $0xC8000, s6;
	s6 =	sshll.u32 s6, $0xD;
	_ =	strace $0x80000047  }
0xa: {  	s7 =	sshll.u32 s3, $0xC;
	s8 =	ssub.s32 $0x2, s3;
	s3 =	smul.u32 $0x64000, s3  }
.Ltmp0:
0xb: {  	s9 =	sor.u32 s7, s6;
	s24 =	sshrl.u32 s8, $0x1;
	(pc) =	sbr.rel .LBB2_1-.Ltmp0, $4  }
0xc: {  	s0 =	sadd.s32 s5, s0;
	s5 =	sadd.s32 s1, s9;
	s25 =	ssub.s32 s8, s24  }
0xd: {  	s0 =	sadd.s32 s3, s0;
	s3 =	sor.u32 $0x80, s9;
	s24 =	simm.s32 $0x280  }
0xe: {  	s26 =	sadd.s32 $0x20, s5;
	s7 =	smax.u32 s25, $0x1;
	s15 =	sadd.s32 $0xA00, s0  }
0xf: {  	s25 =	simm.s32 $0x13000;
	[dreg:$0x3] =	wrdreg s26;
	s26 =	simm.s32 $0x380  }
.LBB2_4:
0x10: {  	s31 =	sadd.s32 $0x1, s31  }
0x11: {  	_ =	swait.ge [sflag:s30], $0xC800;
	p0 =	sne.s32 s31, s7  }
.Ltmp1:
0x12: {  	[sflag:s30] =	ssyncset.done $0x0;
	(pc) =	sbr.rel @!p0 .LBB2_5-.Ltmp1, $4  }
0x13: {  	[sflag:s30] =	ssyncadd.s32 $0xFFFF3800  }
0x14: {  	_ =	swait.ge [sflag:s30], $0xC800  }
0x15: {  	[sflag:s30] =	ssyncset.done $0x0  }
0x16: {  	[sflag:s30] =	ssyncadd.s32 $0xFFFF3800  }
.LBB2_1:
0x17: {  	[tilespmem:s2], [sflag:$0x4] =	stream.strided.gather [hbm4b:s5+s10], $0x200, s11, s10, $0x38;
	[tilespmem:$0x19400] =	vst v63  }
0x18: {  	_ =	swait.ge [sflag:s12], $0x200  }
0x19: {  	[sflag:s12] =	ssyncset.done $0x0  }
0x1a: {  	[sflag:s12] =	ssyncadd.s32 $0xFFFFFE00  }
0x1b: {  	[tilespmem:s11], [sflag:$0x2] =	stream.indirect.gather [hbm4b:s4+s13], $0x80, s2, s13, $0xb8;
	[tilespmem:$0x19400] =	vst v63  }
0x1c: {  	s0 =	simm.s32 $0x4400  }
0x1d: {  	[tilespmem:s0], [sflag:$0x2] =	stream.indirect.gather [hbm4b:s4+s14], $0x80, s10, s14, $0xb8;
	[tilespmem:$0x19400] =	vst v63  }
0x1e: {  	s16 =	simm.s32 $0x6800  }
0x1f: {  	[tilespmem:s16], [sflag:$0x2] =	stream.indirect.gather [hbm4b:s4+s13], $0x80, s13, s13, $0xb8;
	[tilespmem:$0x19400] =	vst v63  }
0x20: {  	s17 =	simm.s32 $0x180;
	s6 =	simm.s32 $0xA800;
	s9 =	smov.u32 s3  }
0x21: {  	[tilespmem:s6], [sflag:$0x2] =	stream.indirect.gather [hbm4b:s4+s14], $0x80, s17, s14, $0xb8;
	[tilespmem:$0x19400] =	vst v63  }
0x22: {  	s8 =	smov.u32 s15;
	s18 =	rddreg [dreg:$0x3];
	s0 =	simm.s32 $0x60  }
0x23: {  	[tilespmem:s19], [sflag:$0x1] =	stream.strided.gather [hbm4b:s18+s10], $0x200, s11, s10, $0x38;
	[tilespmem:$0x19400] =	vst v63  }
.LBB2_2:
0x24: {  	_ =	swait.ge [sflag:s20], $0x200  }
0x25: {  	p0 =	seq.s32 s0, $0x60;
	[sflag:s20] =	ssyncset.done $0x0  }
0x26: {  	s16 =	simm.s32 @!p0 $0x3;
	[sflag:s20] =	ssyncadd.s32 $0xFFFFFE00  }
0x27: {  	_ =	swait.ge @!p0 [sflag:s16], $0xC800  }
0x28: {  	[sflag:s16] =	ssyncset.done @!p0 $0x0  }
0x29: {  	[sflag:s16] =	ssyncadd.s32 @!p0 $0xFFFF3800  }
0x2a: {  	[tilespmem:s21], [sflag:$0x2] =	stream.indirect.gather [hbm4b:s4+s13], $0x80, s19, s13, $0xb8;
	[tilespmem:$0x19400] =	vst v63  }
0x2b: {  	_ = 	snop  }
0x2c: {  	[tilespmem:s23], [sflag:$0x2] =	stream.indirect.gather [hbm4b:s4+s14], $0x80, s22, s14, $0xb8;
	[tilespmem:$0x19400] =	vst v63  }
0x2d: {  	_ = 	snop  }
0x2e: {  	[tilespmem:s25], [sflag:$0x2] =	stream.indirect.gather [hbm4b:s4+s13], $0x80, s24, s13, $0xb8;
	[tilespmem:$0x19400] =	vst v63  }
0x2f: {  	p0 =	seq.s32 s0, $0x820  }
0x30: {  	[tilespmem:s28], [sflag:$0x2] =	stream.indirect.gather [hbm4b:s4+s14], $0x80, s26, s14, $0xb8;
	[tilespmem:$0x19400] =	vst v63  }
0x31: {  	s16 =	sadd.s32 @!p0 $0xFFFFFFE0, s0;
	_ =	swait.ge [sflag:s29], $0xC800  }
0x32: {  	s17 =	sand.u32 @!p0 $0x3FF00, s9;
	s16 =	sand.u32 @!p0 $0x40, s16;
	[sflag:s29] =	ssyncset.done $0x0  }
0x33: {  	s18 =	simm.s32 @!p0 $0x400;
	s16 =	sadd.s32 @!p0 s1, s16;
	[sflag:s29] =	ssyncadd.s32 $0xFFFF3800  }
0x34: {  	[hbm4b:s8+s2] =	stream.linear.scatter [tilespmem:s11], [sflag:$0x3], $0xC800, $0x38;
	[tilespmem:$0x19400] =	vst v63  }
0x35: {  	s6 =	simm.s32 @!p0 $0x0;
	s16 =	sadd.s32 @!p0 s17, s16;
	s17 =	simm.s32 @!p0 $0x100  }
0x36: {  	[tilespmem:s6], [sflag:$0x1] =	stream.strided.gather @!p0 [hbm4b:s16+s17], $0x200, s18, s17, $0x38;
	[tilespmem:$0x19400] =	vst v63  }
0x37: {  	s16 =	simm.s32 @!p0 $0x1  }
0x38: {  	_ =	swait.ge @!p0 [sflag:s16], $0x200  }
0x39: {  	[sflag:s16] =	ssyncset.done @!p0 $0x0  }
0x3a: {  	[sflag:s16] =	ssyncadd.s32 @!p0 $0xFFFFFE00;
	s16 =	simm.s32 @!p0 $0x3  }
0x3b: {  	_ =	swait.ge @!p0 [sflag:s16], $0xC800  }
0x3c: {  	[sflag:s16] =	ssyncset.done @!p0 $0x0  }
0x3d: {  	[sflag:s16] =	ssyncadd.s32 @!p0 $0xFFFF3800;
	s16 =	simm.s32 @!p0 $0x80  }
0x3e: {  	[tilespmem:s18], [sflag:$0x2] =	stream.indirect.gather @!p0 [hbm4b:s4+s16], $0x80, s6, s16, $0xb8;
	[tilespmem:$0x19400] =	vst v63  }
0x3f: {  	s6 =	simm.s32 @!p0 $0x48;
	s18 =	simm.s32 @!p0 $0x4400  }
0x40: {  	[tilespmem:s18], [sflag:$0x2] =	stream.indirect.gather @!p0 [hbm4b:s4+s6], $0x80, s17, s6, $0xb8;
	[tilespmem:$0x19400] =	vst v63  }
0x41: {  	s17 =	simm.s32 @!p0 $0x6800  }
0x42: {  	[tilespmem:s17], [sflag:$0x2] =	stream.indirect.gather @!p0 [hbm4b:s4+s16], $0x80, s16, s16, $0xb8;
	[tilespmem:$0x19400] =	vst v63  }
0x43: {  	s16 =	simm.s32 @!p0 $0x180;
	s17 =	simm.s32 @!p0 $0xA800  }
0x44: {  	[tilespmem:s17], [sflag:$0x2] =	stream.indirect.gather @!p0 [hbm4b:s4+s6], $0x80, s16, s6, $0xb8;
	[tilespmem:$0x19400] =	vst v63  }
.Ltmp2:
0x45: {  	_ = 	snop;
	(pc) =	sbr.rel @p0 .LBB2_4-.Ltmp2, $4  }
0x46: {  	_ =	swait.ge [sflag:s29], $0xC800  }
0x47: {  	[sflag:s29] =	ssyncset.done $0x0  }
0x48: {  	s18 =	sadd.s32 $0x1900, s8;
	[sflag:s29] =	ssyncadd.s32 $0xFFFF3800  }
0x49: {  	[hbm4b:s18+s2] =	stream.linear.scatter [tilespmem:s21], [sflag:$0x3], $0xC800, $0x38;
	[tilespmem:$0x19400] =	vst v63  }
.Ltmp3:
0x4a: {  	(pc) =	sbr.rel .LBB2_2-.Ltmp3, $4  }
0x4b: {  	s6 =	sadd.s32 $0x40, s9;
	s16 =	sand.u32 $0x60, s0  }
0x4c: {  	s8 =	sadd.s32 $0x3200, s8;
	s6 =	sand.u32 $0x3FF00, s6;
	s16 =	sadd.s32 s1, s16  }
0x4d: {  	s9 =	sadd.s32 $0x80, s9;
	s0 =	sadd.s32 $0x40, s0;
	s6 =	sadd.s32 s6, s16  }
0x4e: {  	[tilespmem:s19], [sflag:$0x1] =	stream.strided.gather [hbm4b:s6+s10], $0x200, s11, s10, $0x38;
	[tilespmem:$0x19400] =	vst v63  }
.LBB2_5:
0x4f: {  	_ =	sfence.sel $0x180000  }
0x50: {  	[bflag:$0x0] =	sbarrier.arrive $0xFFFF  }
0x51: {  	_ =	strace $0x90000047  }
0x52: {  	s0 =	stileid.u32;
	[bflag:$0x2] =	sbarrier.arrive $0xFFFF  }
0x53: {  	p0 =	sne.s32 s0, $0x0;
	s0 =	rddreg [dreg:$0x2]  }
0x54: {  	s0 =	sadd.s32 @!p0 $0x100000, s0  }
0x55: {  	[sflag:s0] =	ssyncadd.tile.s32 @!p0 $0x1;
	_ =	shalt  }
.Lfunc_end2:
_tile_overlayer_lowered:
.L_overlay_start_2:
0x56: {  	(tag) =	ssettag $0x2  }
0x57: {  	s0 =	rddreg [dreg:$0x0];
	s2 =	stileid.u32  }
0x58: {  	s1 =	rddreg [dreg:$0x1];
	p0 =	sne.s32 s2, $0x0  }
0x59: {  	s3 =	rddreg [dreg:$0x2];
	[bflag:$0x3] =	sbarrier.arrive $0xFFFF;
	s2 =	simm.s32 @!p0 $0x1C04  }
0x5a: {  	[timem:s3], [sflag:s2] =	dma.local @!p0 [hbm:s0], s1  }
0x5b: {  	s0 =	simm.s32 @!p0 $0x4  }
0x5c: {  	_ =	swait.ge @!p0 [sflag:s0], s1  }
0x5d: {  	s1 =	ssub.s32 @!p0 $0x0, s1;
	[sflag:s0] =	ssyncset.done @!p0 $0x0  }
0x5e: {  	[sflag:s0] =	ssyncadd.s32 @!p0 s1  }
0x5f: {  	[bflag:$0x3] =	sbarrier.arrive $0xFFFF  }
0x60: {  	_ =	shalt  }

// kernel: sparse-core-data-format-call.cloned.1.call-start
scs
called_computation_lowered:
.L_overlay_start_0:
0x0: {  	s2 =	sld [smem:$0x3FD9]  }
0x1: {  	s3 =	sld [smem:$0x3FFE];
	_ =	sdelay $0x1  }
0x2: {  	s1 =	srdreg.scid  }
0x3: {  	s0 =	sand.u32 $0x1, s1  }
0x4: {  	s18 =	sshll.u32 s0, $0xA;
	s2 =	sadd.s32 s3, s2  }
0x5: {  	s2 =	sadd.s32 s2, s18  }
0x6: {  	[smem:$0x3FC6] =	sst s2  }
0x7: {  	_ = 	snop  }
0x8: {  	s2 =	sld [smem:$0x3FD0];
	(tm) =	ssettm $0x1  }
0x9: {  	s19 =	sld [smem:$0x3FFB];
	_ =	sdelay $0x3  }
0xa: {  	_ =	strace s19  }
0xb: {  	s3 =	sld [smem:$0x3FFC];
	_ =	sdelay $0x3  }
0xc: {  	_ =	strace s3  }
0xd: {  	s3 =	sld [smem:$0x3FFD];
	_ =	sdelay $0x3  }
0xe: {  	_ =	strace s3  }
0xf: {  	_ =	strace $0x8FFFFFFF  }
0x10: {  	s20 =	sld [smem:$0x3FDB];
	_ =	sdelay $0x1  }
0x11: {  	s4 =	simm.s32 $_scs_section_size  }
0x12: {  	s5 =	simm.s32 $_size__tile_overlayer_lowered;
	s6 =	simm.s32 $_tile_overlayer_lowered  }
0x13: {  	s23 =	simm.s32 $0x1BFF;
	s22 =	sshll.u32 s6, $0x1;
	s3 =	sadd.s32 s4, s20  }
0x14: {  	s7 =	simm.s32 $0x0;
	s21 =	sshll.u32 s5, $0x1;
	s5 =	sadd.s32 s22, s3  }
0x15: {  	[timem:s7], [sflag:s23] =	dma.local [hbm:s5], s21  }
0x16: {  	_ =	swait.ge [sflag:s23], s21  }
0x17: {  	s4 =	ssub.s32 $0x0, s21;
	[sflag:s23] =	ssyncset.done $0x0  }
0x18: {  	[sflag:s23] =	ssyncadd.s32 s4;
	_ =	sdelay $0x1  }
0x19: {  	s24 =	simm.s32 $0x1B8B  }
0x1a: {  	_ =	swait.ge [sflag:s24], $0x1  }
0x1b: {  	[sflag:s24] =	ssyncset.done $0x0  }
0x1c: {  	s26 =	simm.s32 $0x1B8E;
	s25 =	sld [smem:$0x3FFE];
	[sflag:s24] =	ssyncadd.s32 $0xFFFFFFFF  }
0x1d: {  	s27 =	simm.s32 $execute0_lowered;
	[smem:$0x3FD2] =	sst s26  }
0x1e: {  	s5 =	sshll.u32 s27, $0x1;
	_ =	strace $0x80000049;
	[dreg:$0x1] =	wrdreg $0xFFFFFFFF  }
0x1f: {  	s28 =	simm.s32 $_size_execute0_lowered;
	s3 =	sadd.s32 s3, s5;
	[dreg:$0x0] =	wrdreg $0x0  }
0x20: {  	s5 =	sshll.u32 s28, $0x1;
	[dreg:$0x2] =	wrdreg s3  }
0x21: {  	[dreg:$0x3] =	wrdreg s5  }
0x22: {  	[dreg:$0x4] =	wrdreg $0xC0  }
0x23: {  	_ =	task [dreg:s7], $0x5FFFF  }
0x24: {  	[dreg:$0x1] =	wrdreg $0xFFFFFFFF  }
0x25: {  	[dreg:$0x0] =	wrdreg $0x60  }
0x26: {  	[dreg:$0x2] =	wrdreg s25  }
0x27: {  	[dreg:$0x3] =	wrdreg s2  }
0x28: {  	[dreg:$0x4] =	wrdreg $0x9  }
0x29: {  	_ =	task.clear_ibuf [dreg:s7], $0x5FFFF;
	_ =	strace $0x90000049  }
0x2a: {  	s29 =	simm.s32 $0x9;
	_ =	strace $0x8000004B  }
0x2b: {  	_ =	swait.ge [sflag:s29], $0x1  }
0x2c: {  	[sflag:s29] =	ssyncadd.s32 $0xFFFFFFFF  }
0x2d: {  	_ =	strace $0x9000004B  }
0x2e: {  	_ =	sfence  }
0x2f: {  	s30 =	sld [smem:$0x0];
	_ =	sdelay $0x2  }
0x30: {  	s31 =	sshll.u32 s1, $0xD;
	s1 =	sshrl.u32 s1, $0x2  }
0x31: {  	s3 =	sand.u32 $0x4000, s31;
	s1 =	sadd.s32 s1, s30  }
0x32: {  	s0 =	sor.u32 s3, s0;
	s1 =	sshll.u32 s1, $0x11  }
0x33: {  	s0 =	sor.u32 s1, s0  }
0x34: {  	s0 =	sadd.s32 $0x8F2B, s0  }
0x35: {  	[sflag:s0] =	ssyncadd.remote.s32 $0x1  }
0x36: {  	_ =	sfence.sel $0xFFFF  }
0x37: {  	[dreg:$0x0] =	wrdreg $0xFFFFFFFF;
	(pc) =	sbr.abs _section_cstart, $3  }
0x38: {  	[dreg:$0x1] =	wrdreg $0xFFFFFFFF  }
0x39: {  	_ =	task.clear_ibuf [dreg:s7], $0x2FFFF;
	_ =	strace $0x9FFFFFFF  }
0x3a: {  	(tm) =	ssettm $0x7FFFFFFF  }
0x3b: {  	_ =	shalt  }
tec
execute0_lowered:
.L_overlay_start_1:
0x0: {  	(tag) =	ssettag $0x1  }
0x1: {  	s0 =	srdreg.scid  }
0x2: {  	s1 =	sshll.u32 s0, $0x4  }
0x3: {  	s0 =	stileid.u32;
	s1 =	sand.u32 $0x10, s1  }
0x4: {  	s1 =	sor.u32 s0, s1  }
0x5: {  	s6 =	rddreg [dreg:$0x0];
	s4 =	simm.s32 $0x1;
	s2 =	sshll.u32 s1, $0x7  }
0x6: {  	s7 =	simm.s32 $0x2;
	s12 =	simm.s32 $0x0;
	s1 =	ssub.s32 $0x1000, s2  }
0x7: {  	s8 =	simm.s32 $0x8000;
	s13 =	simm.s32 $0x0;
	s3 =	sand.u32 $0xF80, s1  }
0x8: {  	s9 =	simm.s32 $0x0;
	s5 =	sshrl.u32 s1, $0xC;
	p0 =	sne.s32 s3, $0x0  }
.Ltmp0:
0x9: {  	s1 =	rddreg [dreg:$0x2];
	s4 =	simm.s32 @!p0 $0x0;
	(pc) =	sbr.rel .LBB1_1-.Ltmp0, $4  }
0xa: {  	s11 =	simm.s32 $0x0;
	s3 =	rddreg [dreg:$0x1];
	s5 =	sadd.s32 s4, s5  }
0xb: {  	_ =	strace $0x8000004A;
	s4 =	simm.s32 $0x1;
	s5 =	smul.u32 $0xC8, s5  }
0xc: {  	s6 =	sadd.s32 $0xA00, s6;
	s10 =	smov.u32 s2;
	[sflag:s4] =	ssyncpa.u1 $0x0  }
0xd: {  	p0 =	por $0x0, $0x0;
	[sflag:s7] =	ssyncpa.u1 $0x0;
	s7 =	sor.u32 $0x1, s5  }
.LBB1_4:
0xe: {  	s16 =	sshll.u32 s13, $0x3;
	s17 =	sand.u32 $0x78, s13  }
0xf: {  	s30 =	sand.u32 $0x7E00, s13;
	s12 =	sshll.u32 s12, $0xF;
	s16 =	sand.u32 $0xC00, s16  }
0x10: {  	[tilespmem:s15+$0x810 ss:$0x81] =	vst.msk $0xffff, v2;
	s31 =	sand.u32 $0x7, s13;
	s16 =	sor.u32 s17, s16;
	s17 =	sadd.s32 s3, s30  }
0x11: {  	[tilespmem:s15+$0x1020 ss:$0x81] =	vst.msk $0xffff, v0;
	s13 =	sshll.u32 s31, $0x12;
	s12 =	sadd.s32 s12, s17;
	s16 =	sshrl.u32 s16, $0x3  }
0x12: {  	[tilespmem:s15+$0x0 ss:$0x81] =	vst.msk $0xffff, v1;
	s13 =	sor.u32 $0x400, s13;
	s12 =	sadd.s32 s16, s12  }
0x13: {  	[hbm4b:s12+s13] =	stream.strided.scatter [tilespmem:s14], [sflag:$0x2], $0x2000, s8, s13, $0x20;
	[tilespmem:$0x8080] =	vst v63  }
.LBB1_5:
0x14: {  	s14 =	sadd.s32 $0x1, s9  }
0x15: {  	s12 =	sadd.s32 $0x1000, s10;
	s16 =	smov.u32 s10;
	p2 =	sgt.s32 s14, $0xC7  }
0x16: {  	s16 =	smov.u32 @p2 s12  }
0x17: {  	s14 =	simm.s32 @p2 $0x0;
	p2 =	sgt.s32 s16, $0xFFF  }
0x18: {  	s16 =	smov.u32 @p2 s2;
	p2 =	sne.s32 s11, s7  }
.Ltmp1:
0x19: {  	p1 =	slt.u32 s11, $0x2;
	(pc) =	sbr.rel @!p2 .LBB1_6-.Ltmp1, $4  }
0x1a: {  	s15 =	simm.s32 @!p1 $0x2  }
0x1b: {  	s13 =	smov.u32 s10;
	p0 =	por !p0, !p0;
	_ =	swait.ge @!p1 [sflag:s15], $0x2000  }
0x1c: {  	s12 =	smov.u32 s9;
	[sflag:s15] =	ssyncset.done @!p1 $0x0;
	s9 =	smov.u32 s14  }
0x1d: {  	s11 =	sadd.s32 $0x1, s11;
	[sflag:s15] =	ssyncadd.s32 @!p1 $0xFFFFE000;
	s10 =	smov.u32 s16  }
.LBB1_1:
0x1e: {  	p1 =	sge.u32 s11, s5  }
0x1f: {  	s14 =	sand.u32 @!p1 $0x1FFFFFF, s9  }
0x20: {  	s15 =	smulhi.u32 @!p1 $0x147AE15, s14;
	_ =	sdelay $0x1  }
0x21: {  	s15 =	smul.u32 @!p1 $0xC8, s15  }
0x22: {  	s16 =	sxor.u32 @!p1 $0xFFFFFFFF, s11;
	s17 =	smul.u32 @!p1 $0xC80, s10  }
0x23: {  	s31 =	sadd.s32 $0xFFFFFFFF, s11;
	s16 =	sshll.u32 @!p1 s16, $0xD;
	s14 =	ssub.s32 @!p1 s14, s15  }
0x24: {  	s15 =	sand.u32 @!p1 $0x2000, s16;
	s16 =	sadd.s32 @!p1 s6, s17;
	s14 =	sshll.u32 @!p1 s14, $0x4  }
0x25: {  	s17 =	simm.s32 @!p1 $0x6400;
	s14 =	sadd.s32 @!p1 s14, s16;
	s16 =	simm.s32 @!p1 $0x40  }
0x26: {  	[tilespmem:s15], [sflag:$0x1] =	stream.strided.gather @!p1 [hbm4b:s14+s16], $0x2000, s17, s16, $0x38;
	[tilespmem:$0x8080] =	vst v63  }
0x27: {  	p1 =	sge.u32 s31, s5  }
.Ltmp2:
0x28: {  	_ = 	snop;
	(pc) =	sbr.rel @p1 .LBB1_5-.Ltmp2, $1  }
0x29: {  	_ =	sdelay $0x3  }
0x2a: {  	s14 =	simm.s32 $0x1  }
0x2b: {  	_ =	swait.ge [sflag:s4], $0x2000;
	s14 =	simm.s32 @!p0 $0x0  }
0x2c: {  	[sflag:s4] =	ssyncset.done $0x0;
	s15 =	sshll.u32 s14, $0xD  }
0x2d: {  	[sflag:s4] =	ssyncadd.s32 $0xFFFFE000;
	s18 =	sor.u32 $0x20, s15  }
0x2e: {  	s14 =	smul.u32 $0x8100, s14;
	v3 =	vld [tilespmem:s18+$0x10]  }
0x2f: {  	s30 =	sand.u32 $0x1, s11;
	v2 =	vld [tilespmem:s18+$0xFFFFFFF0]  }
0x30: {  	s15 =	smul.u32 $0x8100, s30;
	s14 =	sshrl.u32 s14, $0x2;
	v0 =	vld [tilespmem:s18+$0x0]  }
0x31: {  	v1 =	vld [tilespmem:s18+$0xFFFFFFE0];
	s16 =	sor.u32 $0x4000, s14  }
0x32: {  	s31 =	sshrl.u32 s15, $0x2;
	s15 =	sadd.s32 $0x0, s16  }
0x33: {  	s17 =	simm.s32 $0x4;
	s18 =	sadd.s32 $0x40, s18;
	s14 =	sor.u32 $0x4000, s31;
	[tilespmem:s15+$0x1830 ss:$0x81] =	vst.msk $0xffff, v3  }
.LBB1_3:
0x34: {  	v3 =	vld [tilespmem:s18+$0x10];
	p1 =	sne.s32 s17, $0x1FC;
	[tilespmem:s15+$0x810 ss:$0x81] =	vst.msk $0xffff, v2;
	s19 =	smov.u32 s17;
	s17 =	sadd.s32 $0x4, s17  }
.Ltmp3:
0x35: {  	v2 =	vld [tilespmem:s18+$0xFFFFFFF0];
	[tilespmem:s15+$0x1020 ss:$0x81] =	vst.msk $0xffff, v0;
	(pc) =	sbr.rel @p1 .LBB1_3-.Ltmp3, $4  }
0x36: {  	v0 =	vld [tilespmem:s18+$0x0];
	[tilespmem:s15+$0x0 ss:$0x81] =	vst.msk $0xffff, v1  }
0x37: {  	s15 =	sshra.s32 s19, $0x2;
	v1 =	vld [tilespmem:s18+$0xFFFFFFE0]  }
0x38: {  	s15 =	sadd.s32 s15, s16  }
0x39: {  	s18 =	sadd.s32 $0x40, s18;
	[tilespmem:s15+$0x1830 ss:$0x81] =	vst.msk $0xffff, v3  }
.Ltmp4:
0x3a: {  	_ = 	snop;
	(pc) =	sbr.rel .LBB1_4-.Ltmp4, $1  }
0x3b: {  	_ =	sdelay $0x3  }
.LBB1_6:
0x3c: {  	_ =	sfence.sel $0x180000  }
0x3d: {  	s2 =	simm.s32 $0x1;
	[bflag:$0x0] =	sbarrier.arrive $0xFFFF  }
0x3e: {  	s31 =	simm.s32 $0x2;
	[sflag:s2] =	ssyncpa.u1 $0x1  }
0x3f: {  	[sflag:s31] =	ssyncpa.u1 $0x1  }
0x40: {  	p0 =	sne.s32 s0, $0x0;
	_ =	strace $0x9000004A  }
0x41: {  	s0 =	sadd.s32 @!p0 $0x100000, s1;
	[bflag:$0x2] =	sbarrier.arrive $0xFFFF  }
0x42: {  	[sflag:s0] =	ssyncadd.tile.s32 @!p0 $0x1;
	_ =	shalt  }
.Lfunc_end1:
_tile_overlayer_lowered:
.L_overlay_start_2:
0x43: {  	(tag) =	ssettag $0x2  }
0x44: {  	s0 =	rddreg [dreg:$0x0];
	s2 =	stileid.u32  }
0x45: {  	s1 =	rddreg [dreg:$0x1];
	p0 =	sne.s32 s2, $0x0  }
0x46: {  	s3 =	rddreg [dreg:$0x2];
	[bflag:$0x3] =	sbarrier.arrive $0xFFFF;
	s2 =	simm.s32 @!p0 $0x1C01  }
0x47: {  	[timem:s3], [sflag:s2] =	dma.local @!p0 [hbm:s0], s1  }
0x48: {  	s0 =	simm.s32 @!p0 $0x1  }
0x49: {  	_ =	swait.ge @!p0 [sflag:s0], s1  }
0x4a: {  	s1 =	ssub.s32 @!p0 $0x0, s1;
	[sflag:s0] =	ssyncset.done @!p0 $0x0  }
0x4b: {  	[sflag:s0] =	ssyncadd.s32 @!p0 s1  }
0x4c: {  	[bflag:$0x3] =	sbarrier.arrive $0xFFFF  }
0x4d: {  	_ =	shalt  }

</sc_bundles>
